<compile_context>
chip_gen: v7x
topology: tpu7x:2x2x1
jax: 0.10.2.dev20260603
libtpu: 0.0.44.dev20260713+nightly
codegen_flags: <defaults>
</compile_context>

<pallas_src>
import jax
import jax.numpy as jnp
from jax import lax
from jax.experimental import pallas as pl
from jax.experimental.pallas import tpu as pltpu
from jax.experimental.pallas import tpu_sc as plsc

ROW = 49
OROW = 9
NROWS = 1024 * 768
NC, NS, L = 2, 16, 16
NW = NC * NS
RPW = NROWS // NW
R = 512
NCH = RPW // R

_BASE = [(1, 1), (3, 1), (5, 1), (2, 3), (4, 3), (3, 5)]
_TAPS = []
_OUTIDX = []
for _x, _y in _BASE:
    _xm, _xp = max(_x - 1, 0), min(_x + 1, 6)
    _ym, _yp = max(_y - 1, 0), min(_y + 1, 6)
    _t = [(_x, _y), (_xm, _y), (_xp, _y), (_x, _yp), (_x, _ym),
          (_xp, _yp), (_xp, _ym)]
    _TAPS.append([a * 7 + b for a, b in _t])
    _OUTIDX.append((_x // 2 - ((_y // 2) % 2)) * 3 + _y // 2)
_UNIQ = sorted({t for ts in _TAPS for t in ts})


def _body(x_hbm, out_hbm, in_v0, in_v1, out_v0, out_v1,
          sem_i0, sem_i1, sem_o0, sem_o1):
    in_v = (in_v0, in_v1)
    out_v = (out_v0, out_v1)
    sem_i = (sem_i0, sem_i1)
    sem_o = (sem_o0, sem_o1)

    wid = lax.axis_index("s") * NC + lax.axis_index("c")
    base_row = wid * RPW

    iota = lax.iota(jnp.int32, L)
    iota_in = iota * ROW
    iota_out = iota * OROW
    zeros = jnp.zeros((L,), jnp.float32)

    @pl.loop(0, (R * OROW) // L)
    def _zero(i):
        out_v0[pl.ds(i * L, L)] = zeros
        out_v1[pl.ds(i * L, L)] = zeros

    def in_copy(chunk, b):
        off = (base_row + chunk * R) * ROW
        return pltpu.async_copy(
            x_hbm.at[pl.ds(off, R * ROW)], in_v[b], sem_i[b])

    def out_copy(chunk, b):
        off = (base_row + chunk * R) * OROW
        return pltpu.async_copy(
            out_v[b].at[...], out_hbm.at[pl.ds(off, R * OROW)], sem_o[b])

    in_copy(0, 0)
    in_copy(1, 1)

    @pl.loop(0, NCH, step=2)
    def _chunk(g):
        for b in range(2):
            chunk = g + b
            pltpu.make_async_copy(
                x_hbm.at[pl.ds((base_row + chunk * R) * ROW, R * ROW)],
                in_v[b], sem_i[b]).wait()

            @pl.when(chunk >= 2)
            def _():
                pltpu.make_async_copy(
                    out_v[b].at[...],
                    out_hbm.at[pl.ds((base_row + (chunk - 2) * R) * OROW,
                                     R * OROW)],
                    sem_o[b]).wait()

            src = in_v[b]
            dst = out_v[b]

            @plsc.parallel_loop(0, R // L, unroll=2)
            def _rows(i):
                s_in = src.at[pl.ds(i * (L * ROW), L * ROW)]
                s_out = dst.at[pl.ds(i * (L * OROW), L * OROW)]
                vals = {}
                for t in _UNIQ:
                    vals[t] = plsc.load_gather(s_in, [iota_in + t])
                for j in range(6):
                    s = vals[_TAPS[j][0]]
                    for t in _TAPS[j][1:]:
                        s = s + vals[t]
                    plsc.store_scatter(
                        s_out, [iota_out + _OUTIDX[j]],
                        s * jnp.float32(1.0 / 7.0))

            out_copy(chunk, b)

            @pl.when(chunk + 2 < NCH)
            def _():
                in_copy(g + b + 2, b)

    for b in range(2):
        pltpu.make_async_copy(
            out_v[b].at[...],
            out_hbm.at[pl.ds((base_row + (NCH - 2 + b) * R) * OROW,
                             R * OROW)],
            sem_o[b]).wait()


@jax.jit
def kernel(input):
    batch, filters = input.shape[0], input.shape[1]
    flat = input.reshape(-1)
    out = pl.kernel(
        _body,
        out_type=jax.ShapeDtypeStruct((NROWS * OROW,), jnp.float32),
        mesh=plsc.VectorSubcoreMesh(core_axis_name="c", subcore_axis_name="s"),
        scratch_types=[
            pltpu.VMEM((R * ROW,), jnp.float32),
            pltpu.VMEM((R * ROW,), jnp.float32),
            pltpu.VMEM((R * OROW,), jnp.float32),
            pltpu.VMEM((R * OROW,), jnp.float32),
            pltpu.SemaphoreType.DMA,
            pltpu.SemaphoreType.DMA,
            pltpu.SemaphoreType.DMA,
            pltpu.SemaphoreType.DMA,
        ],
        compiler_params=pltpu.CompilerParams(needs_layout_passes=False),
    )(flat)
    return out.reshape(batch, filters, 3, 3)

# --- scband reference (transcript-rebuilt; emitter-appended) ---
"""Pipeline reference for scband-second-pooling-48636209660359 (READ-ONLY COPY).

The authoritative reference and input builder live on the scoring server;
editing this copy changes nothing except your own understanding.
"""

import jax, jax.numpy as jnp
import numpy as np

HEIGHT_PADDED = 7
WIDTH_PADDED = 7

base = np.array([[1, 1], [3, 1], [5, 1], [2, 3], [4, 3], [3, 5]], dtype=np.int64)
BASEX = jnp.asarray(base[:, 0])
BASEY = jnp.asarray(base[:, 1])
BASEXM1 = jnp.maximum(BASEX - 1, 0)
BASEXP1 = jnp.minimum(BASEX + 1, HEIGHT_PADDED - 1)
BASEYM1 = jnp.maximum(BASEY - 1, 0)
BASEYP1 = jnp.minimum(BASEY + 1, WIDTH_PADDED - 1)
_mx = base[:, 0] // 2
_my = base[:, 1] // 2
_mx = _mx - (_my % 2)
MAPX = jnp.asarray(_mx)
MAPY = jnp.asarray(_my)


def setup_inputs(seed: int = 0) -> dict:
    key = jax.random.key(seed)
    x = jax.random.normal(key, (1024, 768, 7, 7), dtype=jnp.float32)
    return {"input": x}


def reference(input):
    batchsize, filters = input.shape[0], input.shape[1]
    tmp = input[:, :, BASEX, BASEY]
    tmp = tmp + input[:, :, BASEXM1, BASEY]
    tmp = tmp + input[:, :, BASEXP1, BASEY]
    tmp = tmp + input[:, :, BASEX, BASEYP1]
    tmp = tmp + input[:, :, BASEX, BASEYM1]
    tmp = tmp + input[:, :, BASEXP1, BASEYP1]
    tmp = tmp + input[:, :, BASEXP1, BASEYM1]
    tmp = (1.0 / 7.0) * tmp
    data_out = jnp.zeros((batchsize, filters, 3, 3), dtype=input.dtype)
    data_out = data_out.at[:, :, MAPX, MAPY].set(tmp)
    return data_out

if __name__ == "__main__":
    import jax
    _d = setup_inputs()
    print(jax.jit(kernel)(*tuple(_d.values())))

</pallas_src>

<mosaic_0001>
#map = affine_map<(d0, d1) -> (0)>
module attributes {stable_mosaic.version = 14 : i64} {
  func.func @_body(%arg0: i32, %arg1: i32, %arg2: memref<38535168xf32, #tpu.memory_space<hbm>>, %arg3: memref<7077888xf32, #tpu.memory_space<hbm>>, %arg4: memref<25088xf32, #tpu.memory_space<vmem>>, %arg5: memref<25088xf32, #tpu.memory_space<vmem>>, %arg6: memref<4608xf32, #tpu.memory_space<vmem>>, %arg7: memref<4608xf32, #tpu.memory_space<vmem>>, %arg8: memref<!tpu.dma_semaphore, #tpu.memory_space<semaphore_mem>>, %arg9: memref<!tpu.dma_semaphore, #tpu.memory_space<semaphore_mem>>, %arg10: memref<!tpu.dma_semaphore, #tpu.memory_space<semaphore_mem>>, %arg11: memref<!tpu.dma_semaphore, #tpu.memory_space<semaphore_mem>>) attributes {dimension_semantics = [#tpu.dimension_semantics<core_parallel>, #tpu.dimension_semantics<subcore_parallel>], iteration_bounds = array<i64: 2, 16>, scalar_prefetch = 0 : i64, scratch_operands = 8 : i64, tpu.core_type = #tpu.core_type<sc_vector_subcore>, window_params = [{transform_indices = #map}, {transform_indices = #map}]} {
    %mul3A = arith.constant 2 : i32
    %mul3A_0 = arith.muli %arg1, %mul3A : i32
    %add3A = arith.addi %mul3A_0, %arg0 : i32
    %mul3A_1 = arith.constant 24576 : i32
    %mul3A_2 = arith.muli %add3A, %mul3A_1 : i32
    %iota3A = tpu.iota {dimensions = array<i32: 0>} : vector<16xi32>
    %mul3A_3 = arith.constant 49 : i32
    %mul3A_4 = vector.broadcast %mul3A_3 : i32 to vector<16xi32>
    %mul3A_5 = arith.muli %iota3A, %mul3A_4 : vector<16xi32>
    %mul3A_6 = arith.constant 9 : i32
    %mul3A_7 = vector.broadcast %mul3A_6 : i32 to vector<16xi32>
    %mul3A_8 = arith.muli %iota3A, %mul3A_7 : vector<16xi32>
    %broadcast_in_dim3A = arith.constant 0.000000e+00 : f32
    %broadcast_in_dim3A_9 = vector.broadcast %broadcast_in_dim3A : f32 to vector<16xf32>
    %scan3A = arith.constant 0 : i32
    %scan3A_10 = arith.constant 288 : i32
    %scan3A_11 = arith.addi %scan3A, %scan3A_10 : i32
    %scan3A_12 = arith.constant 1 : i32
    scf.for %scan3A_49 = %scan3A to %scan3A_11 step %scan3A_12  : i32 {
      %mul3A_50 = arith.constant 1 : i32
      %mul3A_51 = arith.muli %scan3A_49, %mul3A_50 : i32
      %add3A_52 = arith.constant 0 : i32
      %add3A_53 = arith.addi %add3A_52, %mul3A_51 : i32
      %mul3A_54 = arith.constant 16 : i32
      %mul3A_55 = arith.muli %add3A_53, %mul3A_54 : i32
      %swap3A = arith.index_cast %mul3A_55 : i32 to index
      %swap3A_56 = tpu.vector_load %arg6[%swap3A] {strides = array<i32>} : memref<4608xf32, #tpu.memory_space<vmem>>, vector<16xf32>,
      tpu.vector_store %arg6[%swap3A], %broadcast_in_dim3A_9 {strides = array<i32>} : memref<4608xf32, #tpu.memory_space<vmem>>, vector<16xf32>,
      %mul3A_57 = arith.constant 16 : i32
      %mul3A_58 = arith.muli %add3A_53, %mul3A_57 : i32
      %swap3A_59 = arith.index_cast %mul3A_58 : i32 to index
      %swap3A_60 = tpu.vector_load %arg7[%swap3A_59] {strides = array<i32>} : memref<4608xf32, #tpu.memory_space<vmem>>, vector<16xf32>,
      tpu.vector_store %arg7[%swap3A_59], %broadcast_in_dim3A_9 {strides = array<i32>} : memref<4608xf32, #tpu.memory_space<vmem>>, vector<16xf32>,
    }
    %scan3A_13 = arith.constant 288 : i32
    %add3A_14 = arith.constant 0 : i32
    %add3A_15 = arith.addi %mul3A_2, %add3A_14 : i32
    %mul3A_16 = arith.constant 49 : i32
    %mul3A_17 = arith.muli %add3A_15, %mul3A_16 : i32
    %dma_start3A = tpu.memref_slice %arg2[%mul3A_17] : memref<38535168xf32, #tpu.memory_space<hbm>> -> memref<25088xf32, #tpu.memory_space<hbm>>
    %dma_start3A_18 = tpu.memref_slice %arg2[%mul3A_17] : memref<38535168xf32, #tpu.memory_space<hbm>> -> memref<25088xf32, #tpu.memory_space<hbm>>
    tpu.enqueue_dma source(%dma_start3A_18 : memref<25088xf32, #tpu.memory_space<hbm>>) target(%arg4 : memref<25088xf32, #tpu.memory_space<vmem>>) target_semaphore(%arg8 : memref<!tpu.dma_semaphore, #tpu.memory_space<semaphore_mem>>)
    %add3A_19 = arith.constant 512 : i32
    %add3A_20 = arith.addi %mul3A_2, %add3A_19 : i32
    %mul3A_21 = arith.constant 49 : i32
    %mul3A_22 = arith.muli %add3A_20, %mul3A_21 : i32
    %dma_start3A_23 = tpu.memref_slice %arg2[%mul3A_22] : memref<38535168xf32, #tpu.memory_space<hbm>> -> memref<25088xf32, #tpu.memory_space<hbm>>
    %dma_start3A_24 = tpu.memref_slice %arg2[%mul3A_22] : memref<38535168xf32, #tpu.memory_space<hbm>> -> memref<25088xf32, #tpu.memory_space<hbm>>
    tpu.enqueue_dma source(%dma_start3A_24 : memref<25088xf32, #tpu.memory_space<hbm>>) target(%arg5 : memref<25088xf32, #tpu.memory_space<vmem>>) target_semaphore(%arg9 : memref<!tpu.dma_semaphore, #tpu.memory_space<semaphore_mem>>)
    %scan3A_25 = arith.constant 0 : i32
    %scan3A_26 = arith.constant 24 : i32
    %scan3A_27 = arith.addi %scan3A_25, %scan3A_26 : i32
    %scan3A_28 = arith.constant 1 : i32
    scf.for %scan3A_49 = %scan3A_25 to %scan3A_27 step %scan3A_28  : i32 {
      %mul3A_50 = arith.constant 2 : i32
      %mul3A_51 = arith.muli %scan3A_49, %mul3A_50 : i32
      %add3A_52 = arith.constant 0 : i32
      %add3A_53 = arith.addi %add3A_52, %mul3A_51 : i32
      %add3A_54 = arith.constant 0 : i32
      %add3A_55 = arith.addi %add3A_53, %add3A_54 : i32
      %mul3A_56 = arith.constant 512 : i32
      %mul3A_57 = arith.muli %add3A_55, %mul3A_56 : i32
      %add3A_58 = arith.addi %mul3A_2, %mul3A_57 : i32
      %mul3A_59 = arith.constant 49 : i32
      %mul3A_60 = arith.muli %add3A_58, %mul3A_59 : i32
      %dma_wait3A_61 = tpu.memref_slice %arg2[%mul3A_60] : memref<38535168xf32, #tpu.memory_space<hbm>> -> memref<25088xf32, #tpu.memory_space<hbm>>
      %dma_wait3A_62 = tpu.memref_slice %arg2[%mul3A_60] : memref<38535168xf32, #tpu.memory_space<hbm>> -> memref<25088xf32, #tpu.memory_space<hbm>>
      tpu.wait_dma2 semaphore(%arg8 : memref<!tpu.dma_semaphore, #tpu.memory_space<semaphore_mem>>) src(%dma_wait3A_62 : memref<25088xf32, #tpu.memory_space<hbm>>) dst(%arg4 : memref<25088xf32, #tpu.memory_space<vmem>>)
      %ge3A = arith.constant 2 : i32
      %ge3A_63 = arith.cmpi sge, %add3A_55, %ge3A : i32
      %convert_element_type3A = arith.extui %ge3A_63 : i1 to i32
      %cond3A = arith.constant 0 : i32
      %cond3A_64 = arith.cmpi ne, %convert_element_type3A, %cond3A : i32
      scf.if %cond3A_64 {
        %sub3A = arith.constant 2 : i32
        %sub3A_119 = arith.subi %add3A_55, %sub3A : i32
        %mul3A_120 = arith.constant 512 : i32
        %mul3A_121 = arith.muli %sub3A_119, %mul3A_120 : i32
        %add3A_122 = arith.addi %mul3A_2, %mul3A_121 : i32
        %mul3A_123 = arith.constant 9 : i32
        %mul3A_124 = arith.muli %add3A_122, %mul3A_123 : i32
        %dma_wait3A_125 = arith.constant 0 : i32
        %dma_wait3A_126 = tpu.memref_slice %arg6[%dma_wait3A_125] : memref<4608xf32, #tpu.memory_space<vmem>> -> memref<4608xf32, #tpu.memory_space<vmem>>
        %dma_wait3A_127 = tpu.memref_slice %arg3[%mul3A_124] : memref<7077888xf32, #tpu.memory_space<hbm>> -> memref<4608xf32, #tpu.memory_space<hbm>>
        %dma_wait3A_128 = tpu.memref_slice %arg3[%mul3A_124] : memref<7077888xf32, #tpu.memory_space<hbm>> -> memref<4608xf32, #tpu.memory_space<hbm>>
        %dma_wait3A_129 = arith.constant 0 : i32
        %dma_wait3A_130 = tpu.memref_slice %arg6[%dma_wait3A_129] : memref<4608xf32, #tpu.memory_space<vmem>> -> memref<4608xf32, #tpu.memory_space<vmem>>
        tpu.wait_dma2 semaphore(%arg10 : memref<!tpu.dma_semaphore, #tpu.memory_space<semaphore_mem>>) src(%dma_wait3A_130 : memref<4608xf32, #tpu.memory_space<vmem>>) dst(%dma_wait3A_128 : memref<4608xf32, #tpu.memory_space<hbm>>)
      } else {
      }
      %parallel_loop3A = arith.constant 0 : i32
      %parallel_loop3A_65 = arith.constant 32 : i32
      %parallel_loop3A_66 = arith.constant 1 : i32
      scf.for %parallel_loop3A_119 = %parallel_loop3A to %parallel_loop3A_65 step %parallel_loop3A_66  : i32 {
        %parallel_loop3A_120 = arith.constant 784 : i32
        %parallel_loop3A_121 = arith.muli %parallel_loop3A_119, %parallel_loop3A_120 : i32
        %parallel_loop3A_122 = arith.constant 144 : i32
        %parallel_loop3A_123 = arith.muli %parallel_loop3A_119, %parallel_loop3A_122 : i32
        %parallel_loop3A_124 = arith.constant 1 : i32
        %parallel_loop3A_125 = vector.broadcast %parallel_loop3A_124 : i32 to vector<16xi32>
        %parallel_loop3A_126 = arith.addi %mul3A_5, %parallel_loop3A_125 : vector<16xi32>
        %parallel_loop3A_127 = tpu.memref_slice %arg4[%parallel_loop3A_121] : memref<25088xf32, #tpu.memory_space<vmem>> -> memref<784xf32, #tpu.memory_space<vmem>>
        %parallel_loop3A_128 = tpu.vector_load_idx %parallel_loop3A_127[%parallel_loop3A_126] : memref<784xf32, #tpu.memory_space<vmem>>[vector<16xi32>], vector<16xf32>,
        %parallel_loop3A_129 = arith.constant 7 : i32
        %parallel_loop3A_130 = vector.broadcast %parallel_loop3A_129 : i32 to vector<16xi32>
        %parallel_loop3A_131 = arith.addi %mul3A_5, %parallel_loop3A_130 : vector<16xi32>
        %parallel_loop3A_132 = tpu.memref_slice %arg4[%parallel_loop3A_121] : memref<25088xf32, #tpu.memory_space<vmem>> -> memref<784xf32, #tpu.memory_space<vmem>>
        %parallel_loop3A_133 = tpu.vector_load_idx %parallel_loop3A_132[%parallel_loop3A_131] : memref<784xf32, #tpu.memory_space<vmem>>[vector<16xi32>], vector<16xf32>,
        %parallel_loop3A_134 = arith.constant 8 : i32
        %parallel_loop3A_135 = vector.broadcast %parallel_loop3A_134 : i32 to vector<16xi32>
        %parallel_loop3A_136 = arith.addi %mul3A_5, %parallel_loop3A_135 : vector<16xi32>
        %parallel_loop3A_137 = tpu.memref_slice %arg4[%parallel_loop3A_121] : memref<25088xf32, #tpu.memory_space<vmem>> -> memref<784xf32, #tpu.memory_space<vmem>>
        %parallel_loop3A_138 = tpu.vector_load_idx %parallel_loop3A_137[%parallel_loop3A_136] : memref<784xf32, #tpu.memory_space<vmem>>[vector<16xi32>], vector<16xf32>,
        %parallel_loop3A_139 = arith.constant 9 : i32
        %parallel_loop3A_140 = vector.broadcast %parallel_loop3A_139 : i32 to vector<16xi32>
        %parallel_loop3A_141 = arith.addi %mul3A_5, %parallel_loop3A_140 : vector<16xi32>
        %parallel_loop3A_142 = tpu.memref_slice %arg4[%parallel_loop3A_121] : memref<25088xf32, #tpu.memory_space<vmem>> -> memref<784xf32, #tpu.memory_space<vmem>>
        %parallel_loop3A_143 = tpu.vector_load_idx %parallel_loop3A_142[%parallel_loop3A_141] : memref<784xf32, #tpu.memory_space<vmem>>[vector<16xi32>], vector<16xf32>,
        %parallel_loop3A_144 = arith.constant 10 : i32
        %parallel_loop3A_145 = vector.broadcast %parallel_loop3A_144 : i32 to vector<16xi32>
        %parallel_loop3A_146 = arith.addi %mul3A_5, %parallel_loop3A_145 : vector<16xi32>
        %parallel_loop3A_147 = tpu.memref_slice %arg4[%parallel_loop3A_121] : memref<25088xf32, #tpu.memory_space<vmem>> -> memref<784xf32, #tpu.memory_space<vmem>>
        %parallel_loop3A_148 = tpu.vector_load_idx %parallel_loop3A_147[%parallel_loop3A_146] : memref<784xf32, #tpu.memory_space<vmem>>[vector<16xi32>], vector<16xf32>,
        %parallel_loop3A_149 = arith.constant 14 : i32
        %parallel_loop3A_150 = vector.broadcast %parallel_loop3A_149 : i32 to vector<16xi32>
        %parallel_loop3A_151 = arith.addi %mul3A_5, %parallel_loop3A_150 : vector<16xi32>
        %parallel_loop3A_152 = tpu.memref_slice %arg4[%parallel_loop3A_121] : memref<25088xf32, #tpu.memory_space<vmem>> -> memref<784xf32, #tpu.memory_space<vmem>>
        %parallel_loop3A_153 = tpu.vector_load_idx %parallel_loop3A_152[%parallel_loop3A_151] : memref<784xf32, #tpu.memory_space<vmem>>[vector<16xi32>], vector<16xf32>,
        %parallel_loop3A_154 = arith.constant 15 : i32
        %parallel_loop3A_155 = vector.broadcast %parallel_loop3A_154 : i32 to vector<16xi32>
        %parallel_loop3A_156 = arith.addi %mul3A_5, %parallel_loop3A_155 : vector<16xi32>
        %parallel_loop3A_157 = tpu.memref_slice %arg4[%parallel_loop3A_121] : memref<25088xf32, #tpu.memory_space<vmem>> -> memref<784xf32, #tpu.memory_space<vmem>>
        %parallel_loop3A_158 = tpu.vector_load_idx %parallel_loop3A_157[%parallel_loop3A_156] : memref<784xf32, #tpu.memory_space<vmem>>[vector<16xi32>], vector<16xf32>,
        %parallel_loop3A_159 = arith.constant 16 : i32
        %parallel_loop3A_160 = vector.broadcast %parallel_loop3A_159 : i32 to vector<16xi32>
        %parallel_loop3A_161 = arith.addi %mul3A_5, %parallel_loop3A_160 : vector<16xi32>
        %parallel_loop3A_162 = tpu.memref_slice %arg4[%parallel_loop3A_121] : memref<25088xf32, #tpu.memory_space<vmem>> -> memref<784xf32, #tpu.memory_space<vmem>>
        %parallel_loop3A_163 = tpu.vector_load_idx %parallel_loop3A_162[%parallel_loop3A_161] : memref<784xf32, #tpu.memory_space<vmem>>[vector<16xi32>], vector<16xf32>,
        %parallel_loop3A_164 = arith.constant 17 : i32
        %parallel_loop3A_165 = vector.broadcast %parallel_loop3A_164 : i32 to vector<16xi32>
        %parallel_loop3A_166 = arith.addi %mul3A_5, %parallel_loop3A_165 : vector<16xi32>
        %parallel_loop3A_167 = tpu.memref_slice %arg4[%parallel_loop3A_121] : memref<25088xf32, #tpu.memory_space<vmem>> -> memref<784xf32, #tpu.memory_space<vmem>>
        %parallel_loop3A_168 = tpu.vector_load_idx %parallel_loop3A_167[%parallel_loop3A_166] : memref<784xf32, #tpu.memory_space<vmem>>[vector<16xi32>], vector<16xf32>,
        %parallel_loop3A_169 = arith.constant 18 : i32
        %parallel_loop3A_170 = vector.broadcast %parallel_loop3A_169 : i32 to vector<16xi32>
        %parallel_loop3A_171 = arith.addi %mul3A_5, %parallel_loop3A_170 : vector<16xi32>
        %parallel_loop3A_172 = tpu.memref_slice %arg4[%parallel_loop3A_121] : memref<25088xf32, #tpu.memory_space<vmem>> -> memref<784xf32, #tpu.memory_space<vmem>>
        %parallel_loop3A_173 = tpu.vector_load_idx %parallel_loop3A_172[%parallel_loop3A_171] : memref<784xf32, #tpu.memory_space<vmem>>[vector<16xi32>], vector<16xf32>,
        %parallel_loop3A_174 = arith.constant 19 : i32
        %parallel_loop3A_175 = vector.broadcast %parallel_loop3A_174 : i32 to vector<16xi32>
        %parallel_loop3A_176 = arith.addi %mul3A_5, %parallel_loop3A_175 : vector<16xi32>
        %parallel_loop3A_177 = tpu.memref_slice %arg4[%parallel_loop3A_121] : memref<25088xf32, #tpu.memory_space<vmem>> -> memref<784xf32, #tpu.memory_space<vmem>>
        %parallel_loop3A_178 = tpu.vector_load_idx %parallel_loop3A_177[%parallel_loop3A_176] : memref<784xf32, #tpu.memory_space<vmem>>[vector<16xi32>], vector<16xf32>,
        %parallel_loop3A_179 = arith.constant 21 : i32
        %parallel_loop3A_180 = vector.broadcast %parallel_loop3A_179 : i32 to vector<16xi32>
        %parallel_loop3A_181 = arith.addi %mul3A_5, %parallel_loop3A_180 : vector<16xi32>
        %parallel_loop3A_182 = tpu.memref_slice %arg4[%parallel_loop3A_121] : memref<25088xf32, #tpu.memory_space<vmem>> -> memref<784xf32, #tpu.memory_space<vmem>>
        %parallel_loop3A_183 = tpu.vector_load_idx %parallel_loop3A_182[%parallel_loop3A_181] : memref<784xf32, #tpu.memory_space<vmem>>[vector<16xi32>], vector<16xf32>,
        %parallel_loop3A_184 = arith.constant 22 : i32
        %parallel_loop3A_185 = vector.broadcast %parallel_loop3A_184 : i32 to vector<16xi32>
        %parallel_loop3A_186 = arith.addi %mul3A_5, %parallel_loop3A_185 : vector<16xi32>
        %parallel_loop3A_187 = tpu.memref_slice %arg4[%parallel_loop3A_121] : memref<25088xf32, #tpu.memory_space<vmem>> -> memref<784xf32, #tpu.memory_space<vmem>>
        %parallel_loop3A_188 = tpu.vector_load_idx %parallel_loop3A_187[%parallel_loop3A_186] : memref<784xf32, #tpu.memory_space<vmem>>[vector<16xi32>], vector<16xf32>,
        %parallel_loop3A_189 = arith.constant 23 : i32
        %parallel_loop3A_190 = vector.broadcast %parallel_loop3A_189 : i32 to vector<16xi32>
        %parallel_loop3A_191 = arith.addi %mul3A_5, %parallel_loop3A_190 : vector<16xi32>
        %parallel_loop3A_192 = tpu.memref_slice %arg4[%parallel_loop3A_121] : memref<25088xf32, #tpu.memory_space<vmem>> -> memref<784xf32, #tpu.memory_space<vmem>>
        %parallel_loop3A_193 = tpu.vector_load_idx %parallel_loop3A_192[%parallel_loop3A_191] : memref<784xf32, #tpu.memory_space<vmem>>[vector<16xi32>], vector<16xf32>,
        %parallel_loop3A_194 = arith.constant 24 : i32
        %parallel_loop3A_195 = vector.broadcast %parallel_loop3A_194 : i32 to vector<16xi32>
        %parallel_loop3A_196 = arith.addi %mul3A_5, %parallel_loop3A_195 : vector<16xi32>
        %parallel_loop3A_197 = tpu.memref_slice %arg4[%parallel_loop3A_121] : memref<25088xf32, #tpu.memory_space<vmem>> -> memref<784xf32, #tpu.memory_space<vmem>>
        %parallel_loop3A_198 = tpu.vector_load_idx %parallel_loop3A_197[%parallel_loop3A_196] : memref<784xf32, #tpu.memory_space<vmem>>[vector<16xi32>], vector<16xf32>,
        %parallel_loop3A_199 = arith.constant 25 : i32
        %parallel_loop3A_200 = vector.broadcast %parallel_loop3A_199 : i32 to vector<16xi32>
        %parallel_loop3A_201 = arith.addi %mul3A_5, %parallel_loop3A_200 : vector<16xi32>
        %parallel_loop3A_202 = tpu.memref_slice %arg4[%parallel_loop3A_121] : memref<25088xf32, #tpu.memory_space<vmem>> -> memref<784xf32, #tpu.memory_space<vmem>>
        %parallel_loop3A_203 = tpu.vector_load_idx %parallel_loop3A_202[%parallel_loop3A_201] : memref<784xf32, #tpu.memory_space<vmem>>[vector<16xi32>], vector<16xf32>,
        %parallel_loop3A_204 = arith.constant 26 : i32
        %parallel_loop3A_205 = vector.broadcast %parallel_loop3A_204 : i32 to vector<16xi32>
        %parallel_loop3A_206 = arith.addi %mul3A_5, %parallel_loop3A_205 : vector<16xi32>
        %parallel_loop3A_207 = tpu.memref_slice %arg4[%parallel_loop3A_121] : memref<25088xf32, #tpu.memory_space<vmem>> -> memref<784xf32, #tpu.memory_space<vmem>>
        %parallel_loop3A_208 = tpu.vector_load_idx %parallel_loop3A_207[%parallel_loop3A_206] : memref<784xf32, #tpu.memory_space<vmem>>[vector<16xi32>], vector<16xf32>,
        %parallel_loop3A_209 = arith.constant 27 : i32
        %parallel_loop3A_210 = vector.broadcast %parallel_loop3A_209 : i32 to vector<16xi32>
        %parallel_loop3A_211 = arith.addi %mul3A_5, %parallel_loop3A_210 : vector<16xi32>
        %parallel_loop3A_212 = tpu.memref_slice %arg4[%parallel_loop3A_121] : memref<25088xf32, #tpu.memory_space<vmem>> -> memref<784xf32, #tpu.memory_space<vmem>>
        %parallel_loop3A_213 = tpu.vector_load_idx %parallel_loop3A_212[%parallel_loop3A_211] : memref<784xf32, #tpu.memory_space<vmem>>[vector<16xi32>], vector<16xf32>,
        %parallel_loop3A_214 = arith.constant 28 : i32
        %parallel_loop3A_215 = vector.broadcast %parallel_loop3A_214 : i32 to vector<16xi32>
        %parallel_loop3A_216 = arith.addi %mul3A_5, %parallel_loop3A_215 : vector<16xi32>
        %parallel_loop3A_217 = tpu.memref_slice %arg4[%parallel_loop3A_121] : memref<25088xf32, #tpu.memory_space<vmem>> -> memref<784xf32, #tpu.memory_space<vmem>>
        %parallel_loop3A_218 = tpu.vector_load_idx %parallel_loop3A_217[%parallel_loop3A_216] : memref<784xf32, #tpu.memory_space<vmem>>[vector<16xi32>], vector<16xf32>,
        %parallel_loop3A_219 = arith.constant 29 : i32
        %parallel_loop3A_220 = vector.broadcast %parallel_loop3A_219 : i32 to vector<16xi32>
        %parallel_loop3A_221 = arith.addi %mul3A_5, %parallel_loop3A_220 : vector<16xi32>
        %parallel_loop3A_222 = tpu.memref_slice %arg4[%parallel_loop3A_121] : memref<25088xf32, #tpu.memory_space<vmem>> -> memref<784xf32, #tpu.memory_space<vmem>>
        %parallel_loop3A_223 = tpu.vector_load_idx %parallel_loop3A_222[%parallel_loop3A_221] : memref<784xf32, #tpu.memory_space<vmem>>[vector<16xi32>], vector<16xf32>,
        %parallel_loop3A_224 = arith.constant 30 : i32
        %parallel_loop3A_225 = vector.broadcast %parallel_loop3A_224 : i32 to vector<16xi32>
        %parallel_loop3A_226 = arith.addi %mul3A_5, %parallel_loop3A_225 : vector<16xi32>
        %parallel_loop3A_227 = tpu.memref_slice %arg4[%parallel_loop3A_121] : memref<25088xf32, #tpu.memory_space<vmem>> -> memref<784xf32, #tpu.memory_space<vmem>>
        %parallel_loop3A_228 = tpu.vector_load_idx %parallel_loop3A_227[%parallel_loop3A_226] : memref<784xf32, #tpu.memory_space<vmem>>[vector<16xi32>], vector<16xf32>,
        %parallel_loop3A_229 = arith.constant 31 : i32
        %parallel_loop3A_230 = vector.broadcast %parallel_loop3A_229 : i32 to vector<16xi32>
        %parallel_loop3A_231 = arith.addi %mul3A_5, %parallel_loop3A_230 : vector<16xi32>
        %parallel_loop3A_232 = tpu.memref_slice %arg4[%parallel_loop3A_121] : memref<25088xf32, #tpu.memory_space<vmem>> -> memref<784xf32, #tpu.memory_space<vmem>>
        %parallel_loop3A_233 = tpu.vector_load_idx %parallel_loop3A_232[%parallel_loop3A_231] : memref<784xf32, #tpu.memory_space<vmem>>[vector<16xi32>], vector<16xf32>,
        %parallel_loop3A_234 = arith.constant 32 : i32
        %parallel_loop3A_235 = vector.broadcast %parallel_loop3A_234 : i32 to vector<16xi32>
        %parallel_loop3A_236 = arith.addi %mul3A_5, %parallel_loop3A_235 : vector<16xi32>
        %parallel_loop3A_237 = tpu.memref_slice %arg4[%parallel_loop3A_121] : memref<25088xf32, #tpu.memory_space<vmem>> -> memref<784xf32, #tpu.memory_space<vmem>>
        %parallel_loop3A_238 = tpu.vector_load_idx %parallel_loop3A_237[%parallel_loop3A_236] : memref<784xf32, #tpu.memory_space<vmem>>[vector<16xi32>], vector<16xf32>,
        %parallel_loop3A_239 = arith.constant 33 : i32
        %parallel_loop3A_240 = vector.broadcast %parallel_loop3A_239 : i32 to vector<16xi32>
        %parallel_loop3A_241 = arith.addi %mul3A_5, %parallel_loop3A_240 : vector<16xi32>
        %parallel_loop3A_242 = tpu.memref_slice %arg4[%parallel_loop3A_121] : memref<25088xf32, #tpu.memory_space<vmem>> -> memref<784xf32, #tpu.memory_space<vmem>>
        %parallel_loop3A_243 = tpu.vector_load_idx %parallel_loop3A_242[%parallel_loop3A_241] : memref<784xf32, #tpu.memory_space<vmem>>[vector<16xi32>], vector<16xf32>,
        %parallel_loop3A_244 = arith.constant 34 : i32
        %parallel_loop3A_245 = vector.broadcast %parallel_loop3A_244 : i32 to vector<16xi32>
        %parallel_loop3A_246 = arith.addi %mul3A_5, %parallel_loop3A_245 : vector<16xi32>
        %parallel_loop3A_247 = tpu.memref_slice %arg4[%parallel_loop3A_121] : memref<25088xf32, #tpu.memory_space<vmem>> -> memref<784xf32, #tpu.memory_space<vmem>>
        %parallel_loop3A_248 = tpu.vector_load_idx %parallel_loop3A_247[%parallel_loop3A_246] : memref<784xf32, #tpu.memory_space<vmem>>[vector<16xi32>], vector<16xf32>,
        %parallel_loop3A_249 = arith.constant 35 : i32
        %parallel_loop3A_250 = vector.broadcast %parallel_loop3A_249 : i32 to vector<16xi32>
        %parallel_loop3A_251 = arith.addi %mul3A_5, %parallel_loop3A_250 : vector<16xi32>
        %parallel_loop3A_252 = tpu.memref_slice %arg4[%parallel_loop3A_121] : memref<25088xf32, #tpu.memory_space<vmem>> -> memref<784xf32, #tpu.memory_space<vmem>>
        %parallel_loop3A_253 = tpu.vector_load_idx %parallel_loop3A_252[%parallel_loop3A_251] : memref<784xf32, #tpu.memory_space<vmem>>[vector<16xi32>], vector<16xf32>,
        %parallel_loop3A_254 = arith.constant 36 : i32
        %parallel_loop3A_255 = vector.broadcast %parallel_loop3A_254 : i32 to vector<16xi32>
        %parallel_loop3A_256 = arith.addi %mul3A_5, %parallel_loop3A_255 : vector<16xi32>
        %parallel_loop3A_257 = tpu.memref_slice %arg4[%parallel_loop3A_121] : memref<25088xf32, #tpu.memory_space<vmem>> -> memref<784xf32, #tpu.memory_space<vmem>>
        %parallel_loop3A_258 = tpu.vector_load_idx %parallel_loop3A_257[%parallel_loop3A_256] : memref<784xf32, #tpu.memory_space<vmem>>[vector<16xi32>], vector<16xf32>,
        %parallel_loop3A_259 = arith.constant 37 : i32
        %parallel_loop3A_260 = vector.broadcast %parallel_loop3A_259 : i32 to vector<16xi32>
        %parallel_loop3A_261 = arith.addi %mul3A_5, %parallel_loop3A_260 : vector<16xi32>
        %parallel_loop3A_262 = tpu.memref_slice %arg4[%parallel_loop3A_121] : memref<25088xf32, #tpu.memory_space<vmem>> -> memref<784xf32, #tpu.memory_space<vmem>>
        %parallel_loop3A_263 = tpu.vector_load_idx %parallel_loop3A_262[%parallel_loop3A_261] : memref<784xf32, #tpu.memory_space<vmem>>[vector<16xi32>], vector<16xf32>,
        %parallel_loop3A_264 = arith.constant 38 : i32
        %parallel_loop3A_265 = vector.broadcast %parallel_loop3A_264 : i32 to vector<16xi32>
        %parallel_loop3A_266 = arith.addi %mul3A_5, %parallel_loop3A_265 : vector<16xi32>
        %parallel_loop3A_267 = tpu.memref_slice %arg4[%parallel_loop3A_121] : memref<25088xf32, #tpu.memory_space<vmem>> -> memref<784xf32, #tpu.memory_space<vmem>>
        %parallel_loop3A_268 = tpu.vector_load_idx %parallel_loop3A_267[%parallel_loop3A_266] : memref<784xf32, #tpu.memory_space<vmem>>[vector<16xi32>], vector<16xf32>,
        %parallel_loop3A_269 = arith.constant 39 : i32
        %parallel_loop3A_270 = vector.broadcast %parallel_loop3A_269 : i32 to vector<16xi32>
        %parallel_loop3A_271 = arith.addi %mul3A_5, %parallel_loop3A_270 : vector<16xi32>
        %parallel_loop3A_272 = tpu.memref_slice %arg4[%parallel_loop3A_121] : memref<25088xf32, #tpu.memory_space<vmem>> -> memref<784xf32, #tpu.memory_space<vmem>>
        %parallel_loop3A_273 = tpu.vector_load_idx %parallel_loop3A_272[%parallel_loop3A_271] : memref<784xf32, #tpu.memory_space<vmem>>[vector<16xi32>], vector<16xf32>,
        %parallel_loop3A_274 = arith.constant 42 : i32
        %parallel_loop3A_275 = vector.broadcast %parallel_loop3A_274 : i32 to vector<16xi32>
        %parallel_loop3A_276 = arith.addi %mul3A_5, %parallel_loop3A_275 : vector<16xi32>
        %parallel_loop3A_277 = tpu.memref_slice %arg4[%parallel_loop3A_121] : memref<25088xf32, #tpu.memory_space<vmem>> -> memref<784xf32, #tpu.memory_space<vmem>>
        %parallel_loop3A_278 = tpu.vector_load_idx %parallel_loop3A_277[%parallel_loop3A_276] : memref<784xf32, #tpu.memory_space<vmem>>[vector<16xi32>], vector<16xf32>,
        %parallel_loop3A_279 = arith.constant 43 : i32
        %parallel_loop3A_280 = vector.broadcast %parallel_loop3A_279 : i32 to vector<16xi32>
        %parallel_loop3A_281 = arith.addi %mul3A_5, %parallel_loop3A_280 : vector<16xi32>
        %parallel_loop3A_282 = tpu.memref_slice %arg4[%parallel_loop3A_121] : memref<25088xf32, #tpu.memory_space<vmem>> -> memref<784xf32, #tpu.memory_space<vmem>>
        %parallel_loop3A_283 = tpu.vector_load_idx %parallel_loop3A_282[%parallel_loop3A_281] : memref<784xf32, #tpu.memory_space<vmem>>[vector<16xi32>], vector<16xf32>,
        %parallel_loop3A_284 = arith.constant 44 : i32
        %parallel_loop3A_285 = vector.broadcast %parallel_loop3A_284 : i32 to vector<16xi32>
        %parallel_loop3A_286 = arith.addi %mul3A_5, %parallel_loop3A_285 : vector<16xi32>
        %parallel_loop3A_287 = tpu.memref_slice %arg4[%parallel_loop3A_121] : memref<25088xf32, #tpu.memory_space<vmem>> -> memref<784xf32, #tpu.memory_space<vmem>>
        %parallel_loop3A_288 = tpu.vector_load_idx %parallel_loop3A_287[%parallel_loop3A_286] : memref<784xf32, #tpu.memory_space<vmem>>[vector<16xi32>], vector<16xf32>,
        %parallel_loop3A_289 = arith.addf %parallel_loop3A_138, %parallel_loop3A_128 : vector<16xf32>
        %parallel_loop3A_290 = arith.addf %parallel_loop3A_289, %parallel_loop3A_158 : vector<16xf32>
        %parallel_loop3A_291 = arith.addf %parallel_loop3A_290, %parallel_loop3A_143 : vector<16xf32>
        %parallel_loop3A_292 = arith.addf %parallel_loop3A_291, %parallel_loop3A_133 : vector<16xf32>
        %parallel_loop3A_293 = arith.addf %parallel_loop3A_292, %parallel_loop3A_163 : vector<16xf32>
        %parallel_loop3A_294 = arith.addf %parallel_loop3A_293, %parallel_loop3A_153 : vector<16xf32>
        %parallel_loop3A_295 = arith.constant 0 : i32
        %parallel_loop3A_296 = vector.broadcast %parallel_loop3A_295 : i32 to vector<16xi32>
        %parallel_loop3A_297 = arith.addi %mul3A_8, %parallel_loop3A_296 : vector<16xi32>
        %parallel_loop3A_298 = arith.constant 0.142857149 : f32
        %parallel_loop3A_299 = vector.broadcast %parallel_loop3A_298 : f32 to vector<16xf32>
        %parallel_loop3A_300 = arith.mulf %parallel_loop3A_294, %parallel_loop3A_299 : vector<16xf32>
        %parallel_loop3A_301 = tpu.memref_slice %arg6[%parallel_loop3A_123] : memref<4608xf32, #tpu.memory_space<vmem>> -> memref<144xf32, #tpu.memory_space<vmem>>
        tpu.vector_store_idx %parallel_loop3A_301[%parallel_loop3A_297], %parallel_loop3A_300 : memref<144xf32, #tpu.memory_space<vmem>>[vector<16xi32>], vector<16xf32>,
        %parallel_loop3A_302 = arith.addf %parallel_loop3A_188, %parallel_loop3A_158 : vector<16xf32>
        %parallel_loop3A_303 = arith.addf %parallel_loop3A_302, %parallel_loop3A_223 : vector<16xf32>
        %parallel_loop3A_304 = arith.addf %parallel_loop3A_303, %parallel_loop3A_193 : vector<16xf32>
        %parallel_loop3A_305 = arith.addf %parallel_loop3A_304, %parallel_loop3A_183 : vector<16xf32>
        %parallel_loop3A_306 = arith.addf %parallel_loop3A_305, %parallel_loop3A_228 : vector<16xf32>
        %parallel_loop3A_307 = arith.addf %parallel_loop3A_306, %parallel_loop3A_218 : vector<16xf32>
        %parallel_loop3A_308 = arith.constant 3 : i32
        %parallel_loop3A_309 = vector.broadcast %parallel_loop3A_308 : i32 to vector<16xi32>
        %parallel_loop3A_310 = arith.addi %mul3A_8, %parallel_loop3A_309 : vector<16xi32>
        %parallel_loop3A_311 = arith.constant 0.142857149 : f32
        %parallel_loop3A_312 = vector.broadcast %parallel_loop3A_311 : f32 to vector<16xf32>
        %parallel_loop3A_313 = arith.mulf %parallel_loop3A_307, %parallel_loop3A_312 : vector<16xf32>
        %parallel_loop3A_314 = tpu.memref_slice %arg6[%parallel_loop3A_123] : memref<4608xf32, #tpu.memory_space<vmem>> -> memref<144xf32, #tpu.memory_space<vmem>>
        tpu.vector_store_idx %parallel_loop3A_314[%parallel_loop3A_310], %parallel_loop3A_313 : memref<144xf32, #tpu.memory_space<vmem>>[vector<16xi32>], vector<16xf32>,
        %parallel_loop3A_315 = arith.addf %parallel_loop3A_258, %parallel_loop3A_223 : vector<16xf32>
        %parallel_loop3A_316 = arith.addf %parallel_loop3A_315, %parallel_loop3A_283 : vector<16xf32>
        %parallel_loop3A_317 = arith.addf %parallel_loop3A_316, %parallel_loop3A_263 : vector<16xf32>
        %parallel_loop3A_318 = arith.addf %parallel_loop3A_317, %parallel_loop3A_253 : vector<16xf32>
        %parallel_loop3A_319 = arith.addf %parallel_loop3A_318, %parallel_loop3A_288 : vector<16xf32>
        %parallel_loop3A_320 = arith.addf %parallel_loop3A_319, %parallel_loop3A_278 : vector<16xf32>
        %parallel_loop3A_321 = arith.constant 6 : i32
        %parallel_loop3A_322 = vector.broadcast %parallel_loop3A_321 : i32 to vector<16xi32>
        %parallel_loop3A_323 = arith.addi %mul3A_8, %parallel_loop3A_322 : vector<16xi32>
        %parallel_loop3A_324 = arith.constant 0.142857149 : f32
        %parallel_loop3A_325 = vector.broadcast %parallel_loop3A_324 : f32 to vector<16xf32>
        %parallel_loop3A_326 = arith.mulf %parallel_loop3A_320, %parallel_loop3A_325 : vector<16xf32>
        %parallel_loop3A_327 = tpu.memref_slice %arg6[%parallel_loop3A_123] : memref<4608xf32, #tpu.memory_space<vmem>> -> memref<144xf32, #tpu.memory_space<vmem>>
        tpu.vector_store_idx %parallel_loop3A_327[%parallel_loop3A_323], %parallel_loop3A_326 : memref<144xf32, #tpu.memory_space<vmem>>[vector<16xi32>], vector<16xf32>,
        %parallel_loop3A_328 = arith.addf %parallel_loop3A_168, %parallel_loop3A_148 : vector<16xf32>
        %parallel_loop3A_329 = arith.addf %parallel_loop3A_328, %parallel_loop3A_198 : vector<16xf32>
        %parallel_loop3A_330 = arith.addf %parallel_loop3A_329, %parallel_loop3A_173 : vector<16xf32>
        %parallel_loop3A_331 = arith.addf %parallel_loop3A_330, %parallel_loop3A_163 : vector<16xf32>
        %parallel_loop3A_332 = arith.addf %parallel_loop3A_331, %parallel_loop3A_203 : vector<16xf32>
        %parallel_loop3A_333 = arith.addf %parallel_loop3A_332, %parallel_loop3A_193 : vector<16xf32>
        %parallel_loop3A_334 = arith.constant 1 : i32
        %parallel_loop3A_335 = vector.broadcast %parallel_loop3A_334 : i32 to vector<16xi32>
        %parallel_loop3A_336 = arith.addi %mul3A_8, %parallel_loop3A_335 : vector<16xi32>
        %parallel_loop3A_337 = arith.constant 0.142857149 : f32
        %parallel_loop3A_338 = vector.broadcast %parallel_loop3A_337 : f32 to vector<16xf32>
        %parallel_loop3A_339 = arith.mulf %parallel_loop3A_333, %parallel_loop3A_338 : vector<16xf32>
        %parallel_loop3A_340 = tpu.memref_slice %arg6[%parallel_loop3A_123] : memref<4608xf32, #tpu.memory_space<vmem>> -> memref<144xf32, #tpu.memory_space<vmem>>
        tpu.vector_store_idx %parallel_loop3A_340[%parallel_loop3A_336], %parallel_loop3A_339 : memref<144xf32, #tpu.memory_space<vmem>>[vector<16xi32>], vector<16xf32>,
        %parallel_loop3A_341 = arith.addf %parallel_loop3A_233, %parallel_loop3A_198 : vector<16xf32>
        %parallel_loop3A_342 = arith.addf %parallel_loop3A_341, %parallel_loop3A_268 : vector<16xf32>
        %parallel_loop3A_343 = arith.addf %parallel_loop3A_342, %parallel_loop3A_238 : vector<16xf32>
        %parallel_loop3A_344 = arith.addf %parallel_loop3A_343, %parallel_loop3A_228 : vector<16xf32>
        %parallel_loop3A_345 = arith.addf %parallel_loop3A_344, %parallel_loop3A_273 : vector<16xf32>
        %parallel_loop3A_346 = arith.addf %parallel_loop3A_345, %parallel_loop3A_263 : vector<16xf32>
        %parallel_loop3A_347 = arith.constant 4 : i32
        %parallel_loop3A_348 = vector.broadcast %parallel_loop3A_347 : i32 to vector<16xi32>
        %parallel_loop3A_349 = arith.addi %mul3A_8, %parallel_loop3A_348 : vector<16xi32>
        %parallel_loop3A_350 = arith.constant 0.142857149 : f32
        %parallel_loop3A_351 = vector.broadcast %parallel_loop3A_350 : f32 to vector<16xf32>
        %parallel_loop3A_352 = arith.mulf %parallel_loop3A_346, %parallel_loop3A_351 : vector<16xf32>
        %parallel_loop3A_353 = tpu.memref_slice %arg6[%parallel_loop3A_123] : memref<4608xf32, #tpu.memory_space<vmem>> -> memref<144xf32, #tpu.memory_space<vmem>>
        tpu.vector_store_idx %parallel_loop3A_353[%parallel_loop3A_349], %parallel_loop3A_352 : memref<144xf32, #tpu.memory_space<vmem>>[vector<16xi32>], vector<16xf32>,
        %parallel_loop3A_354 = arith.addf %parallel_loop3A_208, %parallel_loop3A_178 : vector<16xf32>
        %parallel_loop3A_355 = arith.addf %parallel_loop3A_354, %parallel_loop3A_243 : vector<16xf32>
        %parallel_loop3A_356 = arith.addf %parallel_loop3A_355, %parallel_loop3A_213 : vector<16xf32>
        %parallel_loop3A_357 = arith.addf %parallel_loop3A_356, %parallel_loop3A_203 : vector<16xf32>
        %parallel_loop3A_358 = arith.addf %parallel_loop3A_357, %parallel_loop3A_248 : vector<16xf32>
        %parallel_loop3A_359 = arith.addf %parallel_loop3A_358, %parallel_loop3A_238 : vector<16xf32>
        %parallel_loop3A_360 = arith.constant 5 : i32
        %parallel_loop3A_361 = vector.broadcast %parallel_loop3A_360 : i32 to vector<16xi32>
        %parallel_loop3A_362 = arith.addi %mul3A_8, %parallel_loop3A_361 : vector<16xi32>
        %parallel_loop3A_363 = arith.constant 0.142857149 : f32
        %parallel_loop3A_364 = vector.broadcast %parallel_loop3A_363 : f32 to vector<16xf32>
        %parallel_loop3A_365 = arith.mulf %parallel_loop3A_359, %parallel_loop3A_364 : vector<16xf32>
        %parallel_loop3A_366 = tpu.memref_slice %arg6[%parallel_loop3A_123] : memref<4608xf32, #tpu.memory_space<vmem>> -> memref<144xf32, #tpu.memory_space<vmem>>
        tpu.vector_store_idx %parallel_loop3A_366[%parallel_loop3A_362], %parallel_loop3A_365 : memref<144xf32, #tpu.memory_space<vmem>>[vector<16xi32>], vector<16xf32>,
      } {sc.loop_unroll_factor = 2 : i64, sc.parallel_access}
      %mul3A_67 = arith.constant 512 : i32
      %mul3A_68 = arith.muli %add3A_55, %mul3A_67 : i32
      %add3A_69 = arith.addi %mul3A_2, %mul3A_68 : i32
      %mul3A_70 = arith.constant 9 : i32
      %mul3A_71 = arith.muli %add3A_69, %mul3A_70 : i32
      %dma_start3A_72 = arith.constant 0 : i32
      %dma_start3A_73 = tpu.memref_slice %arg6[%dma_start3A_72] : memref<4608xf32, #tpu.memory_space<vmem>> -> memref<4608xf32, #tpu.memory_space<vmem>>
      %dma_start3A_74 = tpu.memref_slice %arg3[%mul3A_71] : memref<7077888xf32, #tpu.memory_space<hbm>> -> memref<4608xf32, #tpu.memory_space<hbm>>
      %dma_start3A_75 = tpu.memref_slice %arg3[%mul3A_71] : memref<7077888xf32, #tpu.memory_space<hbm>> -> memref<4608xf32, #tpu.memory_space<hbm>>
      %dma_start3A_76 = arith.constant 0 : i32
      %dma_start3A_77 = tpu.memref_slice %arg6[%dma_start3A_76] : memref<4608xf32, #tpu.memory_space<vmem>> -> memref<4608xf32, #tpu.memory_space<vmem>>
      tpu.enqueue_dma source(%dma_start3A_77 : memref<4608xf32, #tpu.memory_space<vmem>>) target(%dma_start3A_75 : memref<4608xf32, #tpu.memory_space<hbm>>) target_semaphore(%arg10 : memref<!tpu.dma_semaphore, #tpu.memory_space<semaphore_mem>>)
      %add3A_78 = arith.constant 2 : i32
      %add3A_79 = arith.addi %add3A_55, %add3A_78 : i32
      %lt3A = arith.constant 48 : i32
      %lt3A_80 = arith.cmpi slt, %add3A_79, %lt3A : i32
      %convert_element_type3A_81 = arith.extui %lt3A_80 : i1 to i32
      %cond3A_82 = arith.constant 0 : i32
      %cond3A_83 = arith.cmpi ne, %convert_element_type3A_81, %cond3A_82 : i32
      scf.if %cond3A_83 {
        %add3A_119 = arith.constant 0 : i32
        %add3A_120 = arith.addi %add3A_53, %add3A_119 : i32
        %add3A_121 = arith.constant 2 : i32
        %add3A_122 = arith.addi %add3A_120, %add3A_121 : i32
        %mul3A_123 = arith.constant 512 : i32
        %mul3A_124 = arith.muli %add3A_122, %mul3A_123 : i32
        %add3A_125 = arith.addi %mul3A_2, %mul3A_124 : i32
        %mul3A_126 = arith.constant 49 : i32
        %mul3A_127 = arith.muli %add3A_125, %mul3A_126 : i32
        %dma_start3A_128 = tpu.memref_slice %arg2[%mul3A_127] : memref<38535168xf32, #tpu.memory_space<hbm>> -> memref<25088xf32, #tpu.memory_space<hbm>>
        %dma_start3A_129 = tpu.memref_slice %arg2[%mul3A_127] : memref<38535168xf32, #tpu.memory_space<hbm>> -> memref<25088xf32, #tpu.memory_space<hbm>>
        tpu.enqueue_dma source(%dma_start3A_129 : memref<25088xf32, #tpu.memory_space<hbm>>) target(%arg4 : memref<25088xf32, #tpu.memory_space<vmem>>) target_semaphore(%arg8 : memref<!tpu.dma_semaphore, #tpu.memory_space<semaphore_mem>>)
      } else {
      }
      %add3A_84 = arith.constant 1 : i32
      %add3A_85 = arith.addi %add3A_53, %add3A_84 : i32
      %mul3A_86 = arith.constant 512 : i32
      %mul3A_87 = arith.muli %add3A_85, %mul3A_86 : i32
      %add3A_88 = arith.addi %mul3A_2, %mul3A_87 : i32
      %mul3A_89 = arith.constant 49 : i32
      %mul3A_90 = arith.muli %add3A_88, %mul3A_89 : i32
      %dma_wait3A_91 = tpu.memref_slice %arg2[%mul3A_90] : memref<38535168xf32, #tpu.memory_space<hbm>> -> memref<25088xf32, #tpu.memory_space<hbm>>
      %dma_wait3A_92 = tpu.memref_slice %arg2[%mul3A_90] : memref<38535168xf32, #tpu.memory_space<hbm>> -> memref<25088xf32, #tpu.memory_space<hbm>>
      tpu.wait_dma2 semaphore(%arg9 : memref<!tpu.dma_semaphore, #tpu.memory_space<semaphore_mem>>) src(%dma_wait3A_92 : memref<25088xf32, #tpu.memory_space<hbm>>) dst(%arg5 : memref<25088xf32, #tpu.memory_space<vmem>>)
      %ge3A_93 = arith.constant 2 : i32
      %ge3A_94 = arith.cmpi sge, %add3A_85, %ge3A_93 : i32
      %convert_element_type3A_95 = arith.extui %ge3A_94 : i1 to i32
      %cond3A_96 = arith.constant 0 : i32
      %cond3A_97 = arith.cmpi ne, %convert_element_type3A_95, %cond3A_96 : i32
      scf.if %cond3A_97 {
        %sub3A = arith.constant 2 : i32
        %sub3A_119 = arith.subi %add3A_85, %sub3A : i32
        %mul3A_120 = arith.constant 512 : i32
        %mul3A_121 = arith.muli %sub3A_119, %mul3A_120 : i32
        %add3A_122 = arith.addi %mul3A_2, %mul3A_121 : i32
        %mul3A_123 = arith.constant 9 : i32
        %mul3A_124 = arith.muli %add3A_122, %mul3A_123 : i32
        %dma_wait3A_125 = arith.constant 0 : i32
        %dma_wait3A_126 = tpu.memref_slice %arg7[%dma_wait3A_125] : memref<4608xf32, #tpu.memory_space<vmem>> -> memref<4608xf32, #tpu.memory_space<vmem>>
        %dma_wait3A_127 = tpu.memref_slice %arg3[%mul3A_124] : memref<7077888xf32, #tpu.memory_space<hbm>> -> memref<4608xf32, #tpu.memory_space<hbm>>
        %dma_wait3A_128 = tpu.memref_slice %arg3[%mul3A_124] : memref<7077888xf32, #tpu.memory_space<hbm>> -> memref<4608xf32, #tpu.memory_space<hbm>>
        %dma_wait3A_129 = arith.constant 0 : i32
        %dma_wait3A_130 = tpu.memref_slice %arg7[%dma_wait3A_129] : memref<4608xf32, #tpu.memory_space<vmem>> -> memref<4608xf32, #tpu.memory_space<vmem>>
        tpu.wait_dma2 semaphore(%arg11 : memref<!tpu.dma_semaphore, #tpu.memory_space<semaphore_mem>>) src(%dma_wait3A_130 : memref<4608xf32, #tpu.memory_space<vmem>>) dst(%dma_wait3A_128 : memref<4608xf32, #tpu.memory_space<hbm>>)
      } else {
      }
      %parallel_loop3A_98 = arith.constant 0 : i32
      %parallel_loop3A_99 = arith.constant 32 : i32
      %parallel_loop3A_100 = arith.constant 1 : i32
      scf.for %parallel_loop3A_119 = %parallel_loop3A_98 to %parallel_loop3A_99 step %parallel_loop3A_100  : i32 {
        %parallel_loop3A_120 = arith.constant 784 : i32
        %parallel_loop3A_121 = arith.muli %parallel_loop3A_119, %parallel_loop3A_120 : i32
        %parallel_loop3A_122 = arith.constant 144 : i32
        %parallel_loop3A_123 = arith.muli %parallel_loop3A_119, %parallel_loop3A_122 : i32
        %parallel_loop3A_124 = arith.constant 1 : i32
        %parallel_loop3A_125 = vector.broadcast %parallel_loop3A_124 : i32 to vector<16xi32>
        %parallel_loop3A_126 = arith.addi %mul3A_5, %parallel_loop3A_125 : vector<16xi32>
        %parallel_loop3A_127 = tpu.memref_slice %arg5[%parallel_loop3A_121] : memref<25088xf32, #tpu.memory_space<vmem>> -> memref<784xf32, #tpu.memory_space<vmem>>
        %parallel_loop3A_128 = tpu.vector_load_idx %parallel_loop3A_127[%parallel_loop3A_126] : memref<784xf32, #tpu.memory_space<vmem>>[vector<16xi32>], vector<16xf32>,
        %parallel_loop3A_129 = arith.constant 7 : i32
        %parallel_loop3A_130 = vector.broadcast %parallel_loop3A_129 : i32 to vector<16xi32>
        %parallel_loop3A_131 = arith.addi %mul3A_5, %parallel_loop3A_130 : vector<16xi32>
        %parallel_loop3A_132 = tpu.memref_slice %arg5[%parallel_loop3A_121] : memref<25088xf32, #tpu.memory_space<vmem>> -> memref<784xf32, #tpu.memory_space<vmem>>
        %parallel_loop3A_133 = tpu.vector_load_idx %parallel_loop3A_132[%parallel_loop3A_131] : memref<784xf32, #tpu.memory_space<vmem>>[vector<16xi32>], vector<16xf32>,
        %parallel_loop3A_134 = arith.constant 8 : i32
        %parallel_loop3A_135 = vector.broadcast %parallel_loop3A_134 : i32 to vector<16xi32>
        %parallel_loop3A_136 = arith.addi %mul3A_5, %parallel_loop3A_135 : vector<16xi32>
        %parallel_loop3A_137 = tpu.memref_slice %arg5[%parallel_loop3A_121] : memref<25088xf32, #tpu.memory_space<vmem>> -> memref<784xf32, #tpu.memory_space<vmem>>
        %parallel_loop3A_138 = tpu.vector_load_idx %parallel_loop3A_137[%parallel_loop3A_136] : memref<784xf32, #tpu.memory_space<vmem>>[vector<16xi32>], vector<16xf32>,
        %parallel_loop3A_139 = arith.constant 9 : i32
        %parallel_loop3A_140 = vector.broadcast %parallel_loop3A_139 : i32 to vector<16xi32>
        %parallel_loop3A_141 = arith.addi %mul3A_5, %parallel_loop3A_140 : vector<16xi32>
        %parallel_loop3A_142 = tpu.memref_slice %arg5[%parallel_loop3A_121] : memref<25088xf32, #tpu.memory_space<vmem>> -> memref<784xf32, #tpu.memory_space<vmem>>
        %parallel_loop3A_143 = tpu.vector_load_idx %parallel_loop3A_142[%parallel_loop3A_141] : memref<784xf32, #tpu.memory_space<vmem>>[vector<16xi32>], vector<16xf32>,
        %parallel_loop3A_144 = arith.constant 10 : i32
        %parallel_loop3A_145 = vector.broadcast %parallel_loop3A_144 : i32 to vector<16xi32>
        %parallel_loop3A_146 = arith.addi %mul3A_5, %parallel_loop3A_145 : vector<16xi32>
        %parallel_loop3A_147 = tpu.memref_slice %arg5[%parallel_loop3A_121] : memref<25088xf32, #tpu.memory_space<vmem>> -> memref<784xf32, #tpu.memory_space<vmem>>
        %parallel_loop3A_148 = tpu.vector_load_idx %parallel_loop3A_147[%parallel_loop3A_146] : memref<784xf32, #tpu.memory_space<vmem>>[vector<16xi32>], vector<16xf32>,
        %parallel_loop3A_149 = arith.constant 14 : i32
        %parallel_loop3A_150 = vector.broadcast %parallel_loop3A_149 : i32 to vector<16xi32>
        %parallel_loop3A_151 = arith.addi %mul3A_5, %parallel_loop3A_150 : vector<16xi32>
        %parallel_loop3A_152 = tpu.memref_slice %arg5[%parallel_loop3A_121] : memref<25088xf32, #tpu.memory_space<vmem>> -> memref<784xf32, #tpu.memory_space<vmem>>
        %parallel_loop3A_153 = tpu.vector_load_idx %parallel_loop3A_152[%parallel_loop3A_151] : memref<784xf32, #tpu.memory_space<vmem>>[vector<16xi32>], vector<16xf32>,
        %parallel_loop3A_154 = arith.constant 15 : i32
        %parallel_loop3A_155 = vector.broadcast %parallel_loop3A_154 : i32 to vector<16xi32>
        %parallel_loop3A_156 = arith.addi %mul3A_5, %parallel_loop3A_155 : vector<16xi32>
        %parallel_loop3A_157 = tpu.memref_slice %arg5[%parallel_loop3A_121] : memref<25088xf32, #tpu.memory_space<vmem>> -> memref<784xf32, #tpu.memory_space<vmem>>
        %parallel_loop3A_158 = tpu.vector_load_idx %parallel_loop3A_157[%parallel_loop3A_156] : memref<784xf32, #tpu.memory_space<vmem>>[vector<16xi32>], vector<16xf32>,
        %parallel_loop3A_159 = arith.constant 16 : i32
        %parallel_loop3A_160 = vector.broadcast %parallel_loop3A_159 : i32 to vector<16xi32>
        %parallel_loop3A_161 = arith.addi %mul3A_5, %parallel_loop3A_160 : vector<16xi32>
        %parallel_loop3A_162 = tpu.memref_slice %arg5[%parallel_loop3A_121] : memref<25088xf32, #tpu.memory_space<vmem>> -> memref<784xf32, #tpu.memory_space<vmem>>
        %parallel_loop3A_163 = tpu.vector_load_idx %parallel_loop3A_162[%parallel_loop3A_161] : memref<784xf32, #tpu.memory_space<vmem>>[vector<16xi32>], vector<16xf32>,
        %parallel_loop3A_164 = arith.constant 17 : i32
        %parallel_loop3A_165 = vector.broadcast %parallel_loop3A_164 : i32 to vector<16xi32>
        %parallel_loop3A_166 = arith.addi %mul3A_5, %parallel_loop3A_165 : vector<16xi32>
        %parallel_loop3A_167 = tpu.memref_slice %arg5[%parallel_loop3A_121] : memref<25088xf32, #tpu.memory_space<vmem>> -> memref<784xf32, #tpu.memory_space<vmem>>
        %parallel_loop3A_168 = tpu.vector_load_idx %parallel_loop3A_167[%parallel_loop3A_166] : memref<784xf32, #tpu.memory_space<vmem>>[vector<16xi32>], vector<16xf32>,
        %parallel_loop3A_169 = arith.constant 18 : i32
        %parallel_loop3A_170 = vector.broadcast %parallel_loop3A_169 : i32 to vector<16xi32>
        %parallel_loop3A_171 = arith.addi %mul3A_5, %parallel_loop3A_170 : vector<16xi32>
        %parallel_loop3A_172 = tpu.memref_slice %arg5[%parallel_loop3A_121] : memref<25088xf32, #tpu.memory_space<vmem>> -> memref<784xf32, #tpu.memory_space<vmem>>
        %parallel_loop3A_173 = tpu.vector_load_idx %parallel_loop3A_172[%parallel_loop3A_171] : memref<784xf32, #tpu.memory_space<vmem>>[vector<16xi32>], vector<16xf32>,
        %parallel_loop3A_174 = arith.constant 19 : i32
        %parallel_loop3A_175 = vector.broadcast %parallel_loop3A_174 : i32 to vector<16xi32>
        %parallel_loop3A_176 = arith.addi %mul3A_5, %parallel_loop3A_175 : vector<16xi32>
        %parallel_loop3A_177 = tpu.memref_slice %arg5[%parallel_loop3A_121] : memref<25088xf32, #tpu.memory_space<vmem>> -> memref<784xf32, #tpu.memory_space<vmem>>
        %parallel_loop3A_178 = tpu.vector_load_idx %parallel_loop3A_177[%parallel_loop3A_176] : memref<784xf32, #tpu.memory_space<vmem>>[vector<16xi32>], vector<16xf32>,
        %parallel_loop3A_179 = arith.constant 21 : i32
        %parallel_loop3A_180 = vector.broadcast %parallel_loop3A_179 : i32 to vector<16xi32>
        %parallel_loop3A_181 = arith.addi %mul3A_5, %parallel_loop3A_180 : vector<16xi32>
        %parallel_loop3A_182 = tpu.memref_slice %arg5[%parallel_loop3A_121] : memref<25088xf32, #tpu.memory_space<vmem>> -> memref<784xf32, #tpu.memory_space<vmem>>
        %parallel_loop3A_183 = tpu.vector_load_idx %parallel_loop3A_182[%parallel_loop3A_181] : memref<784xf32, #tpu.memory_space<vmem>>[vector<16xi32>], vector<16xf32>,
        %parallel_loop3A_184 = arith.constant 22 : i32
        %parallel_loop3A_185 = vector.broadcast %parallel_loop3A_184 : i32 to vector<16xi32>
        %parallel_loop3A_186 = arith.addi %mul3A_5, %parallel_loop3A_185 : vector<16xi32>
        %parallel_loop3A_187 = tpu.memref_slice %arg5[%parallel_loop3A_121] : memref<25088xf32, #tpu.memory_space<vmem>> -> memref<784xf32, #tpu.memory_space<vmem>>
        %parallel_loop3A_188 = tpu.vector_load_idx %parallel_loop3A_187[%parallel_loop3A_186] : memref<784xf32, #tpu.memory_space<vmem>>[vector<16xi32>], vector<16xf32>,
        %parallel_loop3A_189 = arith.constant 23 : i32
        %parallel_loop3A_190 = vector.broadcast %parallel_loop3A_189 : i32 to vector<16xi32>
        %parallel_loop3A_191 = arith.addi %mul3A_5, %parallel_loop3A_190 : vector<16xi32>
        %parallel_loop3A_192 = tpu.memref_slice %arg5[%parallel_loop3A_121] : memref<25088xf32, #tpu.memory_space<vmem>> -> memref<784xf32, #tpu.memory_space<vmem>>
        %parallel_loop3A_193 = tpu.vector_load_idx %parallel_loop3A_192[%parallel_loop3A_191] : memref<784xf32, #tpu.memory_space<vmem>>[vector<16xi32>], vector<16xf32>,
        %parallel_loop3A_194 = arith.constant 24 : i32
        %parallel_loop3A_195 = vector.broadcast %parallel_loop3A_194 : i32 to vector<16xi32>
        %parallel_loop3A_196 = arith.addi %mul3A_5, %parallel_loop3A_195 : vector<16xi32>
        %parallel_loop3A_197 = tpu.memref_slice %arg5[%parallel_loop3A_121] : memref<25088xf32, #tpu.memory_space<vmem>> -> memref<784xf32, #tpu.memory_space<vmem>>
        %parallel_loop3A_198 = tpu.vector_load_idx %parallel_loop3A_197[%parallel_loop3A_196] : memref<784xf32, #tpu.memory_space<vmem>>[vector<16xi32>], vector<16xf32>,
        %parallel_loop3A_199 = arith.constant 25 : i32
        %parallel_loop3A_200 = vector.broadcast %parallel_loop3A_199 : i32 to vector<16xi32>
        %parallel_loop3A_201 = arith.addi %mul3A_5, %parallel_loop3A_200 : vector<16xi32>
        %parallel_loop3A_202 = tpu.memref_slice %arg5[%parallel_loop3A_121] : memref<25088xf32, #tpu.memory_space<vmem>> -> memref<784xf32, #tpu.memory_space<vmem>>
        %parallel_loop3A_203 = tpu.vector_load_idx %parallel_loop3A_202[%parallel_loop3A_201] : memref<784xf32, #tpu.memory_space<vmem>>[vector<16xi32>], vector<16xf32>,
        %parallel_loop3A_204 = arith.constant 26 : i32
        %parallel_loop3A_205 = vector.broadcast %parallel_loop3A_204 : i32 to vector<16xi32>
        %parallel_loop3A_206 = arith.addi %mul3A_5, %parallel_loop3A_205 : vector<16xi32>
        %parallel_loop3A_207 = tpu.memref_slice %arg5[%parallel_loop3A_121] : memref<25088xf32, #tpu.memory_space<vmem>> -> memref<784xf32, #tpu.memory_space<vmem>>
        %parallel_loop3A_208 = tpu.vector_load_idx %parallel_loop3A_207[%parallel_loop3A_206] : memref<784xf32, #tpu.memory_space<vmem>>[vector<16xi32>], vector<16xf32>,
        %parallel_loop3A_209 = arith.constant 27 : i32
        %parallel_loop3A_210 = vector.broadcast %parallel_loop3A_209 : i32 to vector<16xi32>
        %parallel_loop3A_211 = arith.addi %mul3A_5, %parallel_loop3A_210 : vector<16xi32>
        %parallel_loop3A_212 = tpu.memref_slice %arg5[%parallel_loop3A_121] : memref<25088xf32, #tpu.memory_space<vmem>> -> memref<784xf32, #tpu.memory_space<vmem>>
        %parallel_loop3A_213 = tpu.vector_load_idx %parallel_loop3A_212[%parallel_loop3A_211] : memref<784xf32, #tpu.memory_space<vmem>>[vector<16xi32>], vector<16xf32>,
        %parallel_loop3A_214 = arith.constant 28 : i32
        %parallel_loop3A_215 = vector.broadcast %parallel_loop3A_214 : i32 to vector<16xi32>
        %parallel_loop3A_216 = arith.addi %mul3A_5, %parallel_loop3A_215 : vector<16xi32>
        %parallel_loop3A_217 = tpu.memref_slice %arg5[%parallel_loop3A_121] : memref<25088xf32, #tpu.memory_space<vmem>> -> memref<784xf32, #tpu.memory_space<vmem>>
        %parallel_loop3A_218 = tpu.vector_load_idx %parallel_loop3A_217[%parallel_loop3A_216] : memref<784xf32, #tpu.memory_space<vmem>>[vector<16xi32>], vector<16xf32>,
        %parallel_loop3A_219 = arith.constant 29 : i32
        %parallel_loop3A_220 = vector.broadcast %parallel_loop3A_219 : i32 to vector<16xi32>
        %parallel_loop3A_221 = arith.addi %mul3A_5, %parallel_loop3A_220 : vector<16xi32>
        %parallel_loop3A_222 = tpu.memref_slice %arg5[%parallel_loop3A_121] : memref<25088xf32, #tpu.memory_space<vmem>> -> memref<784xf32, #tpu.memory_space<vmem>>
        %parallel_loop3A_223 = tpu.vector_load_idx %parallel_loop3A_222[%parallel_loop3A_221] : memref<784xf32, #tpu.memory_space<vmem>>[vector<16xi32>], vector<16xf32>,
        %parallel_loop3A_224 = arith.constant 30 : i32
        %parallel_loop3A_225 = vector.broadcast %parallel_loop3A_224 : i32 to vector<16xi32>
        %parallel_loop3A_226 = arith.addi %mul3A_5, %parallel_loop3A_225 : vector<16xi32>
        %parallel_loop3A_227 = tpu.memref_slice %arg5[%parallel_loop3A_121] : memref<25088xf32, #tpu.memory_space<vmem>> -> memref<784xf32, #tpu.memory_space<vmem>>
        %parallel_loop3A_228 = tpu.vector_load_idx %parallel_loop3A_227[%parallel_loop3A_226] : memref<784xf32, #tpu.memory_space<vmem>>[vector<16xi32>], vector<16xf32>,
        %parallel_loop3A_229 = arith.constant 31 : i32
        %parallel_loop3A_230 = vector.broadcast %parallel_loop3A_229 : i32 to vector<16xi32>
        %parallel_loop3A_231 = arith.addi %mul3A_5, %parallel_loop3A_230 : vector<16xi32>
        %parallel_loop3A_232 = tpu.memref_slice %arg5[%parallel_loop3A_121] : memref<25088xf32, #tpu.memory_space<vmem>> -> memref<784xf32, #tpu.memory_space<vmem>>
        %parallel_loop3A_233 = tpu.vector_load_idx %parallel_loop3A_232[%parallel_loop3A_231] : memref<784xf32, #tpu.memory_space<vmem>>[vector<16xi32>], vector<16xf32>,
        %parallel_loop3A_234 = arith.constant 32 : i32
        %parallel_loop3A_235 = vector.broadcast %parallel_loop3A_234 : i32 to vector<16xi32>
        %parallel_loop3A_236 = arith.addi %mul3A_5, %parallel_loop3A_235 : vector<16xi32>
        %parallel_loop3A_237 = tpu.memref_slice %arg5[%parallel_loop3A_121] : memref<25088xf32, #tpu.memory_space<vmem>> -> memref<784xf32, #tpu.memory_space<vmem>>
        %parallel_loop3A_238 = tpu.vector_load_idx %parallel_loop3A_237[%parallel_loop3A_236] : memref<784xf32, #tpu.memory_space<vmem>>[vector<16xi32>], vector<16xf32>,
        %parallel_loop3A_239 = arith.constant 33 : i32
        %parallel_loop3A_240 = vector.broadcast %parallel_loop3A_239 : i32 to vector<16xi32>
        %parallel_loop3A_241 = arith.addi %mul3A_5, %parallel_loop3A_240 : vector<16xi32>
        %parallel_loop3A_242 = tpu.memref_slice %arg5[%parallel_loop3A_121] : memref<25088xf32, #tpu.memory_space<vmem>> -> memref<784xf32, #tpu.memory_space<vmem>>
        %parallel_loop3A_243 = tpu.vector_load_idx %parallel_loop3A_242[%parallel_loop3A_241] : memref<784xf32, #tpu.memory_space<vmem>>[vector<16xi32>], vector<16xf32>,
        %parallel_loop3A_244 = arith.constant 34 : i32
        %parallel_loop3A_245 = vector.broadcast %parallel_loop3A_244 : i32 to vector<16xi32>
        %parallel_loop3A_246 = arith.addi %mul3A_5, %parallel_loop3A_245 : vector<16xi32>
        %parallel_loop3A_247 = tpu.memref_slice %arg5[%parallel_loop3A_121] : memref<25088xf32, #tpu.memory_space<vmem>> -> memref<784xf32, #tpu.memory_space<vmem>>
        %parallel_loop3A_248 = tpu.vector_load_idx %parallel_loop3A_247[%parallel_loop3A_246] : memref<784xf32, #tpu.memory_space<vmem>>[vector<16xi32>], vector<16xf32>,
        %parallel_loop3A_249 = arith.constant 35 : i32
        %parallel_loop3A_250 = vector.broadcast %parallel_loop3A_249 : i32 to vector<16xi32>
        %parallel_loop3A_251 = arith.addi %mul3A_5, %parallel_loop3A_250 : vector<16xi32>
        %parallel_loop3A_252 = tpu.memref_slice %arg5[%parallel_loop3A_121] : memref<25088xf32, #tpu.memory_space<vmem>> -> memref<784xf32, #tpu.memory_space<vmem>>
        %parallel_loop3A_253 = tpu.vector_load_idx %parallel_loop3A_252[%parallel_loop3A_251] : memref<784xf32, #tpu.memory_space<vmem>>[vector<16xi32>], vector<16xf32>,
        %parallel_loop3A_254 = arith.constant 36 : i32
        %parallel_loop3A_255 = vector.broadcast %parallel_loop3A_254 : i32 to vector<16xi32>
        %parallel_loop3A_256 = arith.addi %mul3A_5, %parallel_loop3A_255 : vector<16xi32>
        %parallel_loop3A_257 = tpu.memref_slice %arg5[%parallel_loop3A_121] : memref<25088xf32, #tpu.memory_space<vmem>> -> memref<784xf32, #tpu.memory_space<vmem>>
        %parallel_loop3A_258 = tpu.vector_load_idx %parallel_loop3A_257[%parallel_loop3A_256] : memref<784xf32, #tpu.memory_space<vmem>>[vector<16xi32>], vector<16xf32>,
        %parallel_loop3A_259 = arith.constant 37 : i32
        %parallel_loop3A_260 = vector.broadcast %parallel_loop3A_259 : i32 to vector<16xi32>
        %parallel_loop3A_261 = arith.addi %mul3A_5, %parallel_loop3A_260 : vector<16xi32>
        %parallel_loop3A_262 = tpu.memref_slice %arg5[%parallel_loop3A_121] : memref<25088xf32, #tpu.memory_space<vmem>> -> memref<784xf32, #tpu.memory_space<vmem>>
        %parallel_loop3A_263 = tpu.vector_load_idx %parallel_loop3A_262[%parallel_loop3A_261] : memref<784xf32, #tpu.memory_space<vmem>>[vector<16xi32>], vector<16xf32>,
        %parallel_loop3A_264 = arith.constant 38 : i32
        %parallel_loop3A_265 = vector.broadcast %parallel_loop3A_264 : i32 to vector<16xi32>
        %parallel_loop3A_266 = arith.addi %mul3A_5, %parallel_loop3A_265 : vector<16xi32>
        %parallel_loop3A_267 = tpu.memref_slice %arg5[%parallel_loop3A_121] : memref<25088xf32, #tpu.memory_space<vmem>> -> memref<784xf32, #tpu.memory_space<vmem>>
        %parallel_loop3A_268 = tpu.vector_load_idx %parallel_loop3A_267[%parallel_loop3A_266] : memref<784xf32, #tpu.memory_space<vmem>>[vector<16xi32>], vector<16xf32>,
        %parallel_loop3A_269 = arith.constant 39 : i32
        %parallel_loop3A_270 = vector.broadcast %parallel_loop3A_269 : i32 to vector<16xi32>
        %parallel_loop3A_271 = arith.addi %mul3A_5, %parallel_loop3A_270 : vector<16xi32>
        %parallel_loop3A_272 = tpu.memref_slice %arg5[%parallel_loop3A_121] : memref<25088xf32, #tpu.memory_space<vmem>> -> memref<784xf32, #tpu.memory_space<vmem>>
        %parallel_loop3A_273 = tpu.vector_load_idx %parallel_loop3A_272[%parallel_loop3A_271] : memref<784xf32, #tpu.memory_space<vmem>>[vector<16xi32>], vector<16xf32>,
        %parallel_loop3A_274 = arith.constant 42 : i32
        %parallel_loop3A_275 = vector.broadcast %parallel_loop3A_274 : i32 to vector<16xi32>
        %parallel_loop3A_276 = arith.addi %mul3A_5, %parallel_loop3A_275 : vector<16xi32>
        %parallel_loop3A_277 = tpu.memref_slice %arg5[%parallel_loop3A_121] : memref<25088xf32, #tpu.memory_space<vmem>> -> memref<784xf32, #tpu.memory_space<vmem>>
        %parallel_loop3A_278 = tpu.vector_load_idx %parallel_loop3A_277[%parallel_loop3A_276] : memref<784xf32, #tpu.memory_space<vmem>>[vector<16xi32>], vector<16xf32>,
        %parallel_loop3A_279 = arith.constant 43 : i32
        %parallel_loop3A_280 = vector.broadcast %parallel_loop3A_279 : i32 to vector<16xi32>
        %parallel_loop3A_281 = arith.addi %mul3A_5, %parallel_loop3A_280 : vector<16xi32>
        %parallel_loop3A_282 = tpu.memref_slice %arg5[%parallel_loop3A_121] : memref<25088xf32, #tpu.memory_space<vmem>> -> memref<784xf32, #tpu.memory_space<vmem>>
        %parallel_loop3A_283 = tpu.vector_load_idx %parallel_loop3A_282[%parallel_loop3A_281] : memref<784xf32, #tpu.memory_space<vmem>>[vector<16xi32>], vector<16xf32>,
        %parallel_loop3A_284 = arith.constant 44 : i32
        %parallel_loop3A_285 = vector.broadcast %parallel_loop3A_284 : i32 to vector<16xi32>
        %parallel_loop3A_286 = arith.addi %mul3A_5, %parallel_loop3A_285 : vector<16xi32>
        %parallel_loop3A_287 = tpu.memref_slice %arg5[%parallel_loop3A_121] : memref<25088xf32, #tpu.memory_space<vmem>> -> memref<784xf32, #tpu.memory_space<vmem>>
        %parallel_loop3A_288 = tpu.vector_load_idx %parallel_loop3A_287[%parallel_loop3A_286] : memref<784xf32, #tpu.memory_space<vmem>>[vector<16xi32>], vector<16xf32>,
        %parallel_loop3A_289 = arith.addf %parallel_loop3A_138, %parallel_loop3A_128 : vector<16xf32>
        %parallel_loop3A_290 = arith.addf %parallel_loop3A_289, %parallel_loop3A_158 : vector<16xf32>
        %parallel_loop3A_291 = arith.addf %parallel_loop3A_290, %parallel_loop3A_143 : vector<16xf32>
        %parallel_loop3A_292 = arith.addf %parallel_loop3A_291, %parallel_loop3A_133 : vector<16xf32>
        %parallel_loop3A_293 = arith.addf %parallel_loop3A_292, %parallel_loop3A_163 : vector<16xf32>
        %parallel_loop3A_294 = arith.addf %parallel_loop3A_293, %parallel_loop3A_153 : vector<16xf32>
        %parallel_loop3A_295 = arith.constant 0 : i32
        %parallel_loop3A_296 = vector.broadcast %parallel_loop3A_295 : i32 to vector<16xi32>
        %parallel_loop3A_297 = arith.addi %mul3A_8, %parallel_loop3A_296 : vector<16xi32>
        %parallel_loop3A_298 = arith.constant 0.142857149 : f32
        %parallel_loop3A_299 = vector.broadcast %parallel_loop3A_298 : f32 to vector<16xf32>
        %parallel_loop3A_300 = arith.mulf %parallel_loop3A_294, %parallel_loop3A_299 : vector<16xf32>
        %parallel_loop3A_301 = tpu.memref_slice %arg7[%parallel_loop3A_123] : memref<4608xf32, #tpu.memory_space<vmem>> -> memref<144xf32, #tpu.memory_space<vmem>>
        tpu.vector_store_idx %parallel_loop3A_301[%parallel_loop3A_297], %parallel_loop3A_300 : memref<144xf32, #tpu.memory_space<vmem>>[vector<16xi32>], vector<16xf32>,
        %parallel_loop3A_302 = arith.addf %parallel_loop3A_188, %parallel_loop3A_158 : vector<16xf32>
        %parallel_loop3A_303 = arith.addf %parallel_loop3A_302, %parallel_loop3A_223 : vector<16xf32>
        %parallel_loop3A_304 = arith.addf %parallel_loop3A_303, %parallel_loop3A_193 : vector<16xf32>
        %parallel_loop3A_305 = arith.addf %parallel_loop3A_304, %parallel_loop3A_183 : vector<16xf32>
        %parallel_loop3A_306 = arith.addf %parallel_loop3A_305, %parallel_loop3A_228 : vector<16xf32>
        %parallel_loop3A_307 = arith.addf %parallel_loop3A_306, %parallel_loop3A_218 : vector<16xf32>
        %parallel_loop3A_308 = arith.constant 3 : i32
        %parallel_loop3A_309 = vector.broadcast %parallel_loop3A_308 : i32 to vector<16xi32>
        %parallel_loop3A_310 = arith.addi %mul3A_8, %parallel_loop3A_309 : vector<16xi32>
        %parallel_loop3A_311 = arith.constant 0.142857149 : f32
        %parallel_loop3A_312 = vector.broadcast %parallel_loop3A_311 : f32 to vector<16xf32>
        %parallel_loop3A_313 = arith.mulf %parallel_loop3A_307, %parallel_loop3A_312 : vector<16xf32>
        %parallel_loop3A_314 = tpu.memref_slice %arg7[%parallel_loop3A_123] : memref<4608xf32, #tpu.memory_space<vmem>> -> memref<144xf32, #tpu.memory_space<vmem>>
        tpu.vector_store_idx %parallel_loop3A_314[%parallel_loop3A_310], %parallel_loop3A_313 : memref<144xf32, #tpu.memory_space<vmem>>[vector<16xi32>], vector<16xf32>,
        %parallel_loop3A_315 = arith.addf %parallel_loop3A_258, %parallel_loop3A_223 : vector<16xf32>
        %parallel_loop3A_316 = arith.addf %parallel_loop3A_315, %parallel_loop3A_283 : vector<16xf32>
        %parallel_loop3A_317 = arith.addf %parallel_loop3A_316, %parallel_loop3A_263 : vector<16xf32>
        %parallel_loop3A_318 = arith.addf %parallel_loop3A_317, %parallel_loop3A_253 : vector<16xf32>
        %parallel_loop3A_319 = arith.addf %parallel_loop3A_318, %parallel_loop3A_288 : vector<16xf32>
        %parallel_loop3A_320 = arith.addf %parallel_loop3A_319, %parallel_loop3A_278 : vector<16xf32>
        %parallel_loop3A_321 = arith.constant 6 : i32
        %parallel_loop3A_322 = vector.broadcast %parallel_loop3A_321 : i32 to vector<16xi32>
        %parallel_loop3A_323 = arith.addi %mul3A_8, %parallel_loop3A_322 : vector<16xi32>
        %parallel_loop3A_324 = arith.constant 0.142857149 : f32
        %parallel_loop3A_325 = vector.broadcast %parallel_loop3A_324 : f32 to vector<16xf32>
        %parallel_loop3A_326 = arith.mulf %parallel_loop3A_320, %parallel_loop3A_325 : vector<16xf32>
        %parallel_loop3A_327 = tpu.memref_slice %arg7[%parallel_loop3A_123] : memref<4608xf32, #tpu.memory_space<vmem>> -> memref<144xf32, #tpu.memory_space<vmem>>
        tpu.vector_store_idx %parallel_loop3A_327[%parallel_loop3A_323], %parallel_loop3A_326 : memref<144xf32, #tpu.memory_space<vmem>>[vector<16xi32>], vector<16xf32>,
        %parallel_loop3A_328 = arith.addf %parallel_loop3A_168, %parallel_loop3A_148 : vector<16xf32>
        %parallel_loop3A_329 = arith.addf %parallel_loop3A_328, %parallel_loop3A_198 : vector<16xf32>
        %parallel_loop3A_330 = arith.addf %parallel_loop3A_329, %parallel_loop3A_173 : vector<16xf32>
        %parallel_loop3A_331 = arith.addf %parallel_loop3A_330, %parallel_loop3A_163 : vector<16xf32>
        %parallel_loop3A_332 = arith.addf %parallel_loop3A_331, %parallel_loop3A_203 : vector<16xf32>
        %parallel_loop3A_333 = arith.addf %parallel_loop3A_332, %parallel_loop3A_193 : vector<16xf32>
        %parallel_loop3A_334 = arith.constant 1 : i32
        %parallel_loop3A_335 = vector.broadcast %parallel_loop3A_334 : i32 to vector<16xi32>
        %parallel_loop3A_336 = arith.addi %mul3A_8, %parallel_loop3A_335 : vector<16xi32>
        %parallel_loop3A_337 = arith.constant 0.142857149 : f32
        %parallel_loop3A_338 = vector.broadcast %parallel_loop3A_337 : f32 to vector<16xf32>
        %parallel_loop3A_339 = arith.mulf %parallel_loop3A_333, %parallel_loop3A_338 : vector<16xf32>
        %parallel_loop3A_340 = tpu.memref_slice %arg7[%parallel_loop3A_123] : memref<4608xf32, #tpu.memory_space<vmem>> -> memref<144xf32, #tpu.memory_space<vmem>>
        tpu.vector_store_idx %parallel_loop3A_340[%parallel_loop3A_336], %parallel_loop3A_339 : memref<144xf32, #tpu.memory_space<vmem>>[vector<16xi32>], vector<16xf32>,
        %parallel_loop3A_341 = arith.addf %parallel_loop3A_233, %parallel_loop3A_198 : vector<16xf32>
        %parallel_loop3A_342 = arith.addf %parallel_loop3A_341, %parallel_loop3A_268 : vector<16xf32>
        %parallel_loop3A_343 = arith.addf %parallel_loop3A_342, %parallel_loop3A_238 : vector<16xf32>
        %parallel_loop3A_344 = arith.addf %parallel_loop3A_343, %parallel_loop3A_228 : vector<16xf32>
        %parallel_loop3A_345 = arith.addf %parallel_loop3A_344, %parallel_loop3A_273 : vector<16xf32>
        %parallel_loop3A_346 = arith.addf %parallel_loop3A_345, %parallel_loop3A_263 : vector<16xf32>
        %parallel_loop3A_347 = arith.constant 4 : i32
        %parallel_loop3A_348 = vector.broadcast %parallel_loop3A_347 : i32 to vector<16xi32>
        %parallel_loop3A_349 = arith.addi %mul3A_8, %parallel_loop3A_348 : vector<16xi32>
        %parallel_loop3A_350 = arith.constant 0.142857149 : f32
        %parallel_loop3A_351 = vector.broadcast %parallel_loop3A_350 : f32 to vector<16xf32>
        %parallel_loop3A_352 = arith.mulf %parallel_loop3A_346, %parallel_loop3A_351 : vector<16xf32>
        %parallel_loop3A_353 = tpu.memref_slice %arg7[%parallel_loop3A_123] : memref<4608xf32, #tpu.memory_space<vmem>> -> memref<144xf32, #tpu.memory_space<vmem>>
        tpu.vector_store_idx %parallel_loop3A_353[%parallel_loop3A_349], %parallel_loop3A_352 : memref<144xf32, #tpu.memory_space<vmem>>[vector<16xi32>], vector<16xf32>,
        %parallel_loop3A_354 = arith.addf %parallel_loop3A_208, %parallel_loop3A_178 : vector<16xf32>
        %parallel_loop3A_355 = arith.addf %parallel_loop3A_354, %parallel_loop3A_243 : vector<16xf32>
        %parallel_loop3A_356 = arith.addf %parallel_loop3A_355, %parallel_loop3A_213 : vector<16xf32>
        %parallel_loop3A_357 = arith.addf %parallel_loop3A_356, %parallel_loop3A_203 : vector<16xf32>
        %parallel_loop3A_358 = arith.addf %parallel_loop3A_357, %parallel_loop3A_248 : vector<16xf32>
        %parallel_loop3A_359 = arith.addf %parallel_loop3A_358, %parallel_loop3A_238 : vector<16xf32>
        %parallel_loop3A_360 = arith.constant 5 : i32
        %parallel_loop3A_361 = vector.broadcast %parallel_loop3A_360 : i32 to vector<16xi32>
        %parallel_loop3A_362 = arith.addi %mul3A_8, %parallel_loop3A_361 : vector<16xi32>
        %parallel_loop3A_363 = arith.constant 0.142857149 : f32
        %parallel_loop3A_364 = vector.broadcast %parallel_loop3A_363 : f32 to vector<16xf32>
        %parallel_loop3A_365 = arith.mulf %parallel_loop3A_359, %parallel_loop3A_364 : vector<16xf32>
        %parallel_loop3A_366 = tpu.memref_slice %arg7[%parallel_loop3A_123] : memref<4608xf32, #tpu.memory_space<vmem>> -> memref<144xf32, #tpu.memory_space<vmem>>
        tpu.vector_store_idx %parallel_loop3A_366[%parallel_loop3A_362], %parallel_loop3A_365 : memref<144xf32, #tpu.memory_space<vmem>>[vector<16xi32>], vector<16xf32>,
      } {sc.loop_unroll_factor = 2 : i64, sc.parallel_access}
      %mul3A_101 = arith.constant 512 : i32
      %mul3A_102 = arith.muli %add3A_85, %mul3A_101 : i32
      %add3A_103 = arith.addi %mul3A_2, %mul3A_102 : i32
      %mul3A_104 = arith.constant 9 : i32
      %mul3A_105 = arith.muli %add3A_103, %mul3A_104 : i32
      %dma_start3A_106 = arith.constant 0 : i32
      %dma_start3A_107 = tpu.memref_slice %arg7[%dma_start3A_106] : memref<4608xf32, #tpu.memory_space<vmem>> -> memref<4608xf32, #tpu.memory_space<vmem>>
      %dma_start3A_108 = tpu.memref_slice %arg3[%mul3A_105] : memref<7077888xf32, #tpu.memory_space<hbm>> -> memref<4608xf32, #tpu.memory_space<hbm>>
      %dma_start3A_109 = tpu.memref_slice %arg3[%mul3A_105] : memref<7077888xf32, #tpu.memory_space<hbm>> -> memref<4608xf32, #tpu.memory_space<hbm>>
      %dma_start3A_110 = arith.constant 0 : i32
      %dma_start3A_111 = tpu.memref_slice %arg7[%dma_start3A_110] : memref<4608xf32, #tpu.memory_space<vmem>> -> memref<4608xf32, #tpu.memory_space<vmem>>
      tpu.enqueue_dma source(%dma_start3A_111 : memref<4608xf32, #tpu.memory_space<vmem>>) target(%dma_start3A_109 : memref<4608xf32, #tpu.memory_space<hbm>>) target_semaphore(%arg11 : memref<!tpu.dma_semaphore, #tpu.memory_space<semaphore_mem>>)
      %add3A_112 = arith.constant 2 : i32
      %add3A_113 = arith.addi %add3A_85, %add3A_112 : i32
      %lt3A_114 = arith.constant 48 : i32
      %lt3A_115 = arith.cmpi slt, %add3A_113, %lt3A_114 : i32
      %convert_element_type3A_116 = arith.extui %lt3A_115 : i1 to i32
      %cond3A_117 = arith.constant 0 : i32
      %cond3A_118 = arith.cmpi ne, %convert_element_type3A_116, %cond3A_117 : i32
      scf.if %cond3A_118 {
        %add3A_119 = arith.constant 1 : i32
        %add3A_120 = arith.addi %add3A_53, %add3A_119 : i32
        %add3A_121 = arith.constant 2 : i32
        %add3A_122 = arith.addi %add3A_120, %add3A_121 : i32
        %mul3A_123 = arith.constant 512 : i32
        %mul3A_124 = arith.muli %add3A_122, %mul3A_123 : i32
        %add3A_125 = arith.addi %mul3A_2, %mul3A_124 : i32
        %mul3A_126 = arith.constant 49 : i32
        %mul3A_127 = arith.muli %add3A_125, %mul3A_126 : i32
        %dma_start3A_128 = tpu.memref_slice %arg2[%mul3A_127] : memref<38535168xf32, #tpu.memory_space<hbm>> -> memref<25088xf32, #tpu.memory_space<hbm>>
        %dma_start3A_129 = tpu.memref_slice %arg2[%mul3A_127] : memref<38535168xf32, #tpu.memory_space<hbm>> -> memref<25088xf32, #tpu.memory_space<hbm>>
        tpu.enqueue_dma source(%dma_start3A_129 : memref<25088xf32, #tpu.memory_space<hbm>>) target(%arg5 : memref<25088xf32, #tpu.memory_space<vmem>>) target_semaphore(%arg9 : memref<!tpu.dma_semaphore, #tpu.memory_space<semaphore_mem>>)
      } else {
      }
    }
    %scan3A_29 = arith.constant 24 : i32
    %add3A_30 = arith.constant 23552 : i32
    %add3A_31 = arith.addi %mul3A_2, %add3A_30 : i32
    %mul3A_32 = arith.constant 9 : i32
    %mul3A_33 = arith.muli %add3A_31, %mul3A_32 : i32
    %dma_wait3A = arith.constant 0 : i32
    %dma_wait3A_34 = tpu.memref_slice %arg6[%dma_wait3A] : memref<4608xf32, #tpu.memory_space<vmem>> -> memref<4608xf32, #tpu.memory_space<vmem>>
    %dma_wait3A_35 = tpu.memref_slice %arg3[%mul3A_33] : memref<7077888xf32, #tpu.memory_space<hbm>> -> memref<4608xf32, #tpu.memory_space<hbm>>
    %dma_wait3A_36 = tpu.memref_slice %arg3[%mul3A_33] : memref<7077888xf32, #tpu.memory_space<hbm>> -> memref<4608xf32, #tpu.memory_space<hbm>>
    %dma_wait3A_37 = arith.constant 0 : i32
    %dma_wait3A_38 = tpu.memref_slice %arg6[%dma_wait3A_37] : memref<4608xf32, #tpu.memory_space<vmem>> -> memref<4608xf32, #tpu.memory_space<vmem>>
    tpu.wait_dma2 semaphore(%arg10 : memref<!tpu.dma_semaphore, #tpu.memory_space<semaphore_mem>>) src(%dma_wait3A_38 : memref<4608xf32, #tpu.memory_space<vmem>>) dst(%dma_wait3A_36 : memref<4608xf32, #tpu.memory_space<hbm>>)
    %add3A_39 = arith.constant 24064 : i32
    %add3A_40 = arith.addi %mul3A_2, %add3A_39 : i32
    %mul3A_41 = arith.constant 9 : i32
    %mul3A_42 = arith.muli %add3A_40, %mul3A_41 : i32
    %dma_wait3A_43 = arith.constant 0 : i32
    %dma_wait3A_44 = tpu.memref_slice %arg7[%dma_wait3A_43] : memref<4608xf32, #tpu.memory_space<vmem>> -> memref<4608xf32, #tpu.memory_space<vmem>>
    %dma_wait3A_45 = tpu.memref_slice %arg3[%mul3A_42] : memref<7077888xf32, #tpu.memory_space<hbm>> -> memref<4608xf32, #tpu.memory_space<hbm>>
    %dma_wait3A_46 = tpu.memref_slice %arg3[%mul3A_42] : memref<7077888xf32, #tpu.memory_space<hbm>> -> memref<4608xf32, #tpu.memory_space<hbm>>
    %dma_wait3A_47 = arith.constant 0 : i32
    %dma_wait3A_48 = tpu.memref_slice %arg7[%dma_wait3A_47] : memref<4608xf32, #tpu.memory_space<vmem>> -> memref<4608xf32, #tpu.memory_space<vmem>>
    tpu.wait_dma2 semaphore(%arg11 : memref<!tpu.dma_semaphore, #tpu.memory_space<semaphore_mem>>) src(%dma_wait3A_48 : memref<4608xf32, #tpu.memory_space<vmem>>) dst(%dma_wait3A_46 : memref<4608xf32, #tpu.memory_space<hbm>>)
    return
  }
}

</mosaic_0001>

<sc_bundles>
// kernel: kernel.3.cloned.1.call-start
scs
__scs_entry_jumppad:
0x0: {  	(pc) =	sbr.rel $0x88, $3  }
0x1: {  	(tag) =	ssettag $0x0;
	lr =	simm.s32 $0x1  }
0x2: {  	[smem:$0x3FA0] =	sst lr;
	_ =	strace $0xD0000000  }
0x3: {  	_ = 	snop  }
0x4: {  	_ = 	snop  }
0x5: {  	_ = 	snop  }
0x6: {  	_ = 	snop  }
0x7: {  	_ = 	snop  }
__scs_overlays_trampoline_lowered:
0x8: {  	[smem:$0x3FAF] =	sst s0  }
0x9: {  	[smem:$0x3FB0] =	sst s1  }
0xa: {  	[smem:$0x3FB1] =	sst s2  }
0xb: {  	[smem:$0x3FB2] =	sst s3  }
0xc: {  	[smem:$0x3FB3] =	sst s4  }
0xd: {  	[smem:$0x3FB4] =	sst s5  }
0xe: {  	[smem:$0x3FB5] =	sst s6  }
0xf: {  	[smem:$0x3FB6] =	sst s7  }
0x10: {  	[smem:$0x3FB7] =	sst s8  }
0x11: {  	[smem:$0x3FB8] =	sst s9;
	s0 =	simm.s32 @!p0 $0x0  }
0x12: {  	s1 =	sld [smem:$0x3F9E];
	s0 =	simm.s32 @p0 $0x1  }
0x13: {  	[smem:$0x3FB9] =	sst s0;
	s0 =	simm.s32 @!p1 $0x0  }
0x14: {  	s2 =	sld [smem:$0x3F9D];
	s0 =	simm.s32 @p1 $0x1  }
0x15: {  	[smem:$0x3FBA] =	sst s0;
	s0 =	simm.s32 @!p2 $0x0  }
0x16: {  	s3 =	sld [smem:$0x3FDB];
	s0 =	simm.s32 @p2 $0x1  }
0x17: {  	s4 =	simm.s32 $0x1BF5;
	[smem:$0x3FBC] =	sst s0  }
0x18: {  	s0 =	sld [smem:$0x3F9F];
	_ =	swait.ge [sflag:s4], $0x0  }
0x19: {  	s7 =	sld [smem:$0x3FA0]  }
0x1a: {  	s8 =	sadd.s32 $0xFFFFE003, lr  }
0x1b: {  	s9 =	sadd.s32 $0xFFFFFEF7, lr;
	s5 =	simm.s32 $0xFFFFFFFF;
	p2 =	slt.u32 s8, $0xFFFFF086  }
0x1c: {  	p1 =	slt.u32 s9, $0xF7A;
	s5 =	simm.s32 @!p2 $0x0  }
0x1d: {  	s5 =	simm.s32 @p1 $0x1;
	p0 =	seq.s32 s7, s2  }
0x1e: {  	s7 =	smul.u32 @!p0 $0xF7A, s2;
	p2 =	seq.s32 @!p0 s5, $0x0  }
0x1f: {  	s9 =	smul.u32 $0xF7A, s1;
	s8 =	simm.s32 @!p0 $0x1BF5;
	p2 =	por !p2, p0  }
0x20: {  	[sflag:s8] =	ssyncset.s32 @!p0 $0xFFFFF086;
	s6 =	sadd.s32 @!p0 s3, s7;
	s7 =	simm.s32 @!p0 $0x108  }
0x21: {  	s3 =	sadd.s32 s3, s9;
	s6 =	sadd.s32 @!p0 $0x88, s6;
	s7 =	simm.s32 @p2 $0x1082  }
0x22: {  	[simem:s7], [sflag:s8] =	dma.local @!p0 [hbm:s6], $0xF7A  }
0x23: {  	s9 =	sor.u32 $0xD0000000, s2;
	s6 =	simm.s32 $0x108;
	_ =	swait.ge @!p0 [sflag:s8], $0x0  }
0x24: {  	s3 =	sadd.s32 $0x88, s3;
	s6 =	simm.s32 @!p1 $0x1082;
	[sflag:s4] =	ssyncset.s32 $0xFFFFF086  }
0x25: {  	[simem:s6], [sflag:s4] =	dma.local [hbm:s3], $0xF7A  }
0x26: {  	[smem:$0x3FA0] =	sst s1;
	(tag) =	ssettag s2;
	_ =	strace s9  }
0x27: {  	s1 =	sld [smem:$0x3FB0]  }
0x28: {  	s2 =	sld [smem:$0x3FB1]  }
0x29: {  	s4 =	sld [smem:$0x3FB3]  }
0x2a: {  	p0 =	seq.s32 s5, $0x0;
	s5 =	sld [smem:$0x3FB4]  }
0x2b: {  	s6 =	sld [smem:$0x3FB5]  }
0x2c: {  	s7 =	sld [smem:$0x3FB6]  }
0x2d: {  	s3 =	simm.s32 $0x108;
	s8 =	sld [smem:$0x3FB7]  }
0x2e: {  	s3 =	simm.s32 @!p0 $0x1082;
	s9 =	sld [smem:$0x3FB8]  }
0x2f: {  	lr =	sadd.s32 s0, s3;
	s0 =	sld [smem:$0x3FAF]  }
0x30: {  	s3 =	sld [smem:$0x3FB2]  }
0x31: {  	[smem:$0x3FBB] =	sst s10  }
0x32: {  	s10 =	sld [smem:$0x3FB9];
	_ =	sdelay $0x3  }
0x33: {  	p0 =	seq.s32 s10, $0x1;
	s10 =	sld [smem:$0x3FBB];
	_ =	sdelay $0x3  }
0x34: {  	[smem:$0x3FBB] =	sst s10  }
0x35: {  	s10 =	sld [smem:$0x3FBA];
	_ =	sdelay $0x3  }
0x36: {  	p1 =	seq.s32 s10, $0x1;
	s10 =	sld [smem:$0x3FBB];
	_ =	sdelay $0x3  }
0x37: {  	[smem:$0x3FBB] =	sst s10  }
0x38: {  	s10 =	sld [smem:$0x3FBC]  }
0x39: {  	_ = 	snop;
	(pc) =	sbr.ind lr, $3  }
0x3a: {  	_ = 	snop  }
0x3b: {  	_ = 	snop  }
0x3c: {  	p2 =	seq.s32 s10, $0x1;
	s10 =	sld [smem:$0x3FBB]  }
0x3d: {  	_ =	shalt  }
0x3e: {  	_ =	shalt  }
0x3f: {  	_ =	shalt  }
0x40: {  	_ =	shalt  }
0x41: {  	_ =	shalt  }
0x42: {  	_ =	shalt  }
0x43: {  	_ =	shalt  }
0x44: {  	_ =	shalt  }
0x45: {  	_ =	shalt  }
0x46: {  	_ =	shalt  }
0x47: {  	_ =	shalt  }
0x48: {  	_ =	shalt  }
0x49: {  	_ =	shalt  }
0x4a: {  	_ =	shalt  }
0x4b: {  	_ =	shalt  }
0x4c: {  	_ =	shalt  }
0x4d: {  	_ =	shalt  }
0x4e: {  	_ =	shalt  }
0x4f: {  	_ =	shalt  }
0x50: {  	_ =	shalt  }
0x51: {  	_ =	shalt  }
0x52: {  	_ =	shalt  }
0x53: {  	_ =	shalt  }
0x54: {  	_ =	shalt  }
0x55: {  	_ =	shalt  }
0x56: {  	_ =	shalt  }
0x57: {  	_ =	shalt  }
0x58: {  	_ =	shalt  }
0x59: {  	_ =	shalt  }
0x5a: {  	_ =	shalt  }
0x5b: {  	_ =	shalt  }
0x5c: {  	_ =	shalt  }
0x5d: {  	_ =	shalt  }
0x5e: {  	_ =	shalt  }
0x5f: {  	_ =	shalt  }
0x60: {  	_ =	shalt  }
0x61: {  	_ =	shalt  }
0x62: {  	_ =	shalt  }
0x63: {  	_ =	shalt  }
0x64: {  	_ =	shalt  }
0x65: {  	_ =	shalt  }
0x66: {  	_ =	shalt  }
0x67: {  	_ =	shalt  }
0x68: {  	_ =	shalt  }
0x69: {  	_ =	shalt  }
0x6a: {  	_ =	shalt  }
0x6b: {  	_ =	shalt  }
0x6c: {  	_ =	shalt  }
0x6d: {  	_ =	shalt  }
0x6e: {  	_ =	shalt  }
0x6f: {  	_ =	shalt  }
0x70: {  	_ =	shalt  }
0x71: {  	_ =	shalt  }
0x72: {  	_ =	shalt  }
0x73: {  	_ =	shalt  }
0x74: {  	_ =	shalt  }
0x75: {  	_ =	shalt  }
0x76: {  	_ =	shalt  }
0x77: {  	_ =	shalt  }
0x78: {  	_ =	shalt  }
0x79: {  	_ =	shalt  }
0x7a: {  	_ =	shalt  }
0x7b: {  	_ =	shalt  }
0x7c: {  	_ =	shalt  }
0x7d: {  	_ =	shalt  }
0x7e: {  	_ =	shalt  }
0x7f: {  	_ =	shalt  }
0x80: {  	_ =	shalt  }
0x81: {  	_ =	shalt  }
0x82: {  	_ =	shalt  }
0x83: {  	_ =	shalt  }
0x84: {  	_ =	shalt  }
0x85: {  	_ =	shalt  }
0x86: {  	_ =	shalt  }
0x87: {  	_ =	shalt  }
.Lfunc_end0:
.L_simem_size_0:
called_computation_lowered:
.L_overlay_start_0:
0x88: {  	s2 =	sld [smem:$0x3FD9]  }
0x89: {  	s3 =	sld [smem:$0x3FFE];
	_ =	sdelay $0x1  }
0x8a: {  	s1 =	srdreg.scid  }
0x8b: {  	s0 =	sand.u32 $0x1, s1  }
0x8c: {  	s17 =	sshll.u32 s0, $0xA;
	s2 =	sadd.s32 s3, s2  }
0x8d: {  	s2 =	sadd.s32 s2, s17  }
0x8e: {  	[smem:$0x3FC7] =	sst s2  }
0x8f: {  	_ = 	snop  }
0x90: {  	s2 =	sld [smem:$0x3FD0];
	(tm) =	ssettm $0x1  }
0x91: {  	s18 =	sld [smem:$0x3FFB];
	_ =	sdelay $0x3  }
0x92: {  	_ =	strace s18  }
0x93: {  	s3 =	sld [smem:$0x3FFC];
	_ =	sdelay $0x3  }
0x94: {  	_ =	strace s3  }
0x95: {  	s3 =	sld [smem:$0x3FFD];
	_ =	sdelay $0x3  }
0x96: {  	_ =	strace s3  }
0x97: {  	_ =	strace $0x8FFFFFFF  }
0x98: {  	s19 =	sld [smem:$0x3FDB];
	_ =	sdelay $0x1  }
0x99: {  	s4 =	simm.s32 $_scs_section_size  }
0x9a: {  	s5 =	simm.s32 $_size__tile_overlayer_lowered;
	s6 =	simm.s32 $_tile_overlayer_lowered  }
0x9b: {  	s22 =	simm.s32 $0x1BFF;
	s21 =	sshll.u32 s6, $0x1;
	s3 =	sadd.s32 s4, s19  }
0x9c: {  	s7 =	simm.s32 $0x0;
	s20 =	sshll.u32 s5, $0x1;
	s5 =	sadd.s32 s21, s3  }
0x9d: {  	[timem:s7], [sflag:s22] =	dma.local [hbm:s5], s20  }
0x9e: {  	_ =	swait.ge [sflag:s22], s20  }
0x9f: {  	s4 =	ssub.s32 $0x0, s20;
	[sflag:s22] =	ssyncset.done $0x0  }
0xa0: {  	[sflag:s22] =	ssyncadd.s32 s4;
	_ =	sdelay $0x1  }
0xa1: {  	s23 =	simm.s32 $0x1B8B  }
0xa2: {  	_ =	swait.ge [sflag:s23], $0x1  }
0xa3: {  	[sflag:s23] =	ssyncset.done $0x0  }
0xa4: {  	s25 =	simm.s32 $0x1B8E;
	s24 =	sld [smem:$0x3FFE];
	[sflag:s23] =	ssyncadd.s32 $0xFFFFFFFF  }
0xa5: {  	s26 =	simm.s32 $execute0_lowered;
	[smem:$0x3FD2] =	sst s25  }
0xa6: {  	s5 =	sshll.u32 s26, $0x1;
	_ =	strace $0x80000046;
	[dreg:$0x1] =	wrdreg $0xFFFFFFFF  }
0xa7: {  	s28 =	simm.s32 $_size_execute0_lowered;
	s3 =	sadd.s32 s3, s5;
	[dreg:$0x0] =	wrdreg $0x0  }
0xa8: {  	s5 =	sshll.u32 s28, $0x1;
	[dreg:$0x2] =	wrdreg s3  }
0xa9: {  	[dreg:$0x3] =	wrdreg s5  }
0xaa: {  	[dreg:$0x4] =	wrdreg $0xC0  }
0xab: {  	_ =	task [dreg:s7], $0x5FFFF  }
0xac: {  	[dreg:$0x1] =	wrdreg $0xFFFFFFFF  }
0xad: {  	[dreg:$0x0] =	wrdreg $0x60  }
0xae: {  	[dreg:$0x2] =	wrdreg s24  }
0xaf: {  	[dreg:$0x3] =	wrdreg s2  }
0xb0: {  	[dreg:$0x4] =	wrdreg $0x9  }
0xb1: {  	_ =	task.clear_ibuf [dreg:s7], $0x5FFFF;
	_ =	strace $0x90000046  }
0xb2: {  	s29 =	simm.s32 $0x9;
	_ =	strace $0x80000048  }
0xb3: {  	_ =	swait.ge [sflag:s29], $0x1  }
0xb4: {  	[sflag:s29] =	ssyncadd.s32 $0xFFFFFFFF  }
0xb5: {  	_ =	strace $0x90000048  }
0xb6: {  	_ =	sfence  }
0xb7: {  	s30 =	sld [smem:$0x0];
	_ =	sdelay $0x2  }
0xb8: {  	s31 =	sshll.u32 s1, $0xD;
	s1 =	sshrl.u32 s1, $0x2  }
0xb9: {  	s3 =	sand.u32 $0x4000, s31;
	s1 =	sadd.s32 s1, s30  }
0xba: {  	s0 =	sor.u32 s3, s0;
	s1 =	sshll.u32 s1, $0x11  }
0xbb: {  	s0 =	sor.u32 s1, s0  }
0xbc: {  	s0 =	sadd.s32 $0x8F2B, s0  }
0xbd: {  	[sflag:s0] =	ssyncadd.remote.s32 $0x1  }
0xbe: {  	_ =	sfence.sel $0xFFFF  }
0xbf: {  	[dreg:$0x0] =	wrdreg $0xFFFFFFFF;
	(pc) =	sbr.abs _section_cstart, $3  }
0xc0: {  	[dreg:$0x1] =	wrdreg $0xFFFFFFFF  }
0xc1: {  	_ =	task.clear_ibuf [dreg:s7], $0x2FFFF;
	_ =	strace $0x9FFFFFFF  }
0xc2: {  	(tm) =	ssettm $0x7FFFFFFF  }
0xc3: {  	_ =	shalt  }
tec
execute0_lowered:
.L_overlay_start_1:
0x0: {  	(tag) =	ssettag $0x1  }
0x1: {  	v30 =	vlaneseq.u32  }
0x2: {  	v34 =	vmul.u32 $0x31, v30  }
0x3: {  	v0 =	vimm.f32 $0.0e+00  }
0x4: {  	s4 =	rddreg [dreg:$0x0];
	v30 =	vmul.u32 $0x9, v30;
	v1 =	vadd.s32 $0x1, v34;
	v2 =	vadd.s32 $0x7, v34  }
0x5: {  	s1 =	rddreg [dreg:$0x1];
	v3 =	vadd.s32 $0x8, v34;
	v4 =	vadd.s32 $0x9, v34;
	v5 =	vadd.s32 $0xA, v34  }
0x6: {  	s0 =	rddreg [dreg:$0x2];
	s5 =	srdreg.scid;
	v6 =	vadd.s32 $0xE, v34;
	v7 =	vadd.s32 $0xF, v34;
	v8 =	vadd.s32 $0x10, v34  }
0x7: {  	s2 =	stileid.u32;
	s3 =	simm.s32 $0x0;
	s11 =	simm.s32 $0x6200;
	v9 =	vadd.s32 $0x11, v34;
	v10 =	vadd.s32 $0x12, v34;
	v11 =	vadd.s32 $0x13, v34  }
0x8: {  	s12 =	simm.s32 $0x1;
	s5 =	sand.u32 $0x1, s5;
	s6 =	sshll.u32 s2, $0x1;
	v12 =	vadd.s32 $0x15, v34;
	v13 =	vadd.s32 $0x16, v34;
	v14 =	vadd.s32 $0x17, v34  }
0x9: {  	s13 =	simm.s32 $0xC400;
	s14 =	simm.s32 $0x2;
	s6 =	sor.u32 s5, s6;
	v15 =	vadd.s32 $0x18, v34;
	v16 =	vadd.s32 $0x19, v34;
	v17 =	vadd.s32 $0x1A, v34  }
0xa: {  	s15 =	simm.s32 $0xD600;
	s16 =	simm.s32 $0x3;
	s7 =	smul.u32 $0x126000, s6;
	v18 =	vadd.s32 $0x1B, v34;
	v19 =	vadd.s32 $0x1C, v34;
	v20 =	vadd.s32 $0x1D, v34  }
0xb: {  	s17 =	simm.s32 $0x4;
	s18 =	simm.s32 $0x0;
	s9 =	smul.u32 $0x24C00, s6;
	v21 =	vadd.s32 $0x1E, v34;
	v22 =	vadd.s32 $0x1F, v34;
	v23 =	vadd.s32 $0x20, v34  }
.Ltmp0:
0xc: {  	[smem:$0x7FF] =	sst s3;
	s8 =	ssub.s32 $0x2, s5;
	v24 =	vadd.s32 $0x21, v34;
	v25 =	vadd.s32 $0x22, v34;
	v26 =	vadd.s32 $0x23, v34;
	(pc) =	sbr.rel .LBB2_1-.Ltmp0, $4  }
0xd: {  	s4 =	sadd.s32 $0x6000400, s4;
	s10 =	sshrl.u32 s8, $0x1;
	s5 =	smul.u32 $0x6000, s6;
	v27 =	vadd.s32 $0x24, v34;
	v28 =	vadd.s32 $0x25, v34;
	v29 =	vadd.s32 $0x26, v34  }
0xe: {  	_ =	strace $0x80000047;
	v31 =	vadd.s32 $0x27, v34;
	v32 =	vadd.s32 $0x2A, v34;
	v33 =	vadd.s32 $0x2B, v34;
	s10 =	ssub.s32 s8, s10;
	s7 =	sshrl.u32 s7, $0x3  }
0xf: {  	v34 =	vadd.s32 $0x2C, v34;
	v35 =	vadd.s32 $0x3, v30;
	v36 =	vadd.s32 $0x6, v30;
	s6 =	sadd.s32 s4, s9;
	s8 =	sor.u32 $0x400, s5;
	s7 =	sadd.s32 s4, s7  }
0x10: {  	v37 =	vadd.s32 $0x1, v30;
	v38 =	vadd.s32 $0x4, v30;
	v39 =	vadd.s32 $0x5, v30;
	s9 =	sor.u32 $0x600, s5;
	s10 =	smax.u32 s10, $0x1;
	s7 =	sadd.s32 $0xC40, s7  }
.LBB2_10:
0x11: {  	s18 =	sadd.s32 $0x1, s18  }
0x12: {  	_ =	swait.ge [sflag:s16], $0x1200;
	p0 =	sne.s32 s18, s10  }
.Ltmp1:
0x13: {  	[sflag:s16] =	ssyncset.done $0x0;
	(pc) =	sbr.rel @!p0 .LBB2_11-.Ltmp1, $4  }
0x14: {  	[sflag:s16] =	ssyncadd.s32 $0xFFFFEE00  }
0x15: {  	_ =	swait.ge [sflag:s17], $0x1200  }
0x16: {  	[sflag:s17] =	ssyncset.done $0x0  }
0x17: {  	v0 =	vimm.f32 $0.0e+00;
	[sflag:s17] =	ssyncadd.s32 $0xFFFFEE00  }
.LBB2_1:
0x18: {  	s19 =	simm.s32 $0x40;
	s20 =	simm.s32 $0x0  }
.LBB2_2:
0x19: {  	p0 =	sne.s32 s19, $0x47C0;
	[tilespmem:s20+$0xC400] =	vst v0;
	s21 =	smov.u32 s19;
	s19 =	sadd.s32 $0x40, s19  }
.Ltmp2:
0x1a: {  	[tilespmem:s20+$0xD600] =	vst v0;
	(pc) =	sbr.rel @p0 .LBB2_2-.Ltmp2, $2  }
0x1b: {  	_ =	sdelay $0x2  }
0x1c: {  	s20 =	sshra.s32 s21, $0x2  }
0x1d: {  	[tilespmem:s20+$0xC400] =	vst v0  }
0x1e: {  	[tilespmem:s20+$0xD600] =	vst v0;
	s19 =	simm.s32 $0x0  }
0x1f: {  	[tilespmem:s19], [sflag:$0x1] =	stream.linear.gather [hbm4b:s6+s19], $0x6200, $0x38;
	[tilespmem:$0xE800] =	vst v63  }
0x20: {  	_ = 	snop  }
0x21: {  	[tilespmem:s11], [sflag:$0x2] =	stream.linear.gather [hbm4b:s7+s19], $0x6200, $0x38;
	[tilespmem:$0xE800] =	vst v63  }
.LBB2_4:
0x22: {  	_ =	swait.ge [sflag:s12], $0x6200  }
0x23: {  	p1 =	seq.s32 s19, $0x0;
	[sflag:s12] =	ssyncset.done $0x0  }
0x24: {  	s20 =	simm.s32 @!p1 $0x3;
	[sflag:s12] =	ssyncadd.s32 $0xFFFF9E00  }
0x25: {  	_ =	swait.ge @!p1 [sflag:s20], $0x1200  }
0x26: {  	[sflag:s20] =	ssyncset.done @!p1 $0x0  }
0x27: {  	s24 =	simm.s32 $0x310;
	[sflag:s20] =	ssyncadd.s32 @!p1 $0xFFFFEE00  }
0x28: {  	v0 =	vld.idx.msk [tilespmem:v6+s24+$0x0], $0xffff;
	_ =	sdelay $0x4  }
0x29: {  	[tilespmem:$0x1FF90] =	vst v0  }
0x2a: {  	v0 =	vld.idx.msk [tilespmem:v19+s24+$0x0], $0xffff;
	_ =	sdelay $0x4  }
0x2b: {  	[tilespmem:$0x1FFB0] =	vst v0  }
0x2c: {  	v0 =	vld.idx.msk [tilespmem:v2+s24+$0x0], $0xffff;
	_ =	sdelay $0x4  }
0x2d: {  	[tilespmem:$0x1FF80] =	vst v0  }
0x2e: {  	v0 =	vld.idx.msk [tilespmem:v4+s24+$0x0], $0xffff;
	_ =	sdelay $0x4  }
0x2f: {  	v43 =	vld.idx.msk [tilespmem:v8+s24+$0x0], $0xffff;
	[tilespmem:$0x1FF60] =	vst v0  }
0x30: {  	v0 =	vld.idx.msk [tilespmem:v10+s24+$0x0], $0xffff;
	_ =	sdelay $0x4  }
0x31: {  	[tilespmem:$0x1FF70] =	vst v0  }
0x32: {  	v46 =	vld.idx.msk [tilespmem:v14+s24+$0x0], $0xffff  }
0x33: {  	v47 =	vld.idx.msk [tilespmem:v1+s24+$0x0], $0xffff  }
0x34: {  	v48 =	vld.idx.msk [tilespmem:v3+s24+$0x0], $0xffff  }
0x35: {  	v49 =	vld.idx.msk [tilespmem:v5+s24+$0x0], $0xffff  }
0x36: {  	v50 =	vld.idx.msk [tilespmem:v7+s24+$0x0], $0xffff  }
0x37: {  	v51 =	vld.idx.msk [tilespmem:v9+s24+$0x0], $0xffff  }
0x38: {  	v52 =	vld.idx.msk [tilespmem:v11+s24+$0x0], $0xffff  }
0x39: {  	v53 =	vld.idx.msk [tilespmem:v13+s24+$0x0], $0xffff  }
0x3a: {  	v54 =	vld.idx.msk [tilespmem:v15+s24+$0x0], $0xffff  }
0x3b: {  	v55 =	vld.idx.msk [tilespmem:v17+s24+$0x0], $0xffff  }
0x3c: {  	v56 =	vld.idx.msk [tilespmem:v20+s24+$0x0], $0xffff  }
0x3d: {  	v57 =	vld.idx.msk [tilespmem:v27+s24+$0x0], $0xffff  }
0x3e: {  	v58 =	vld.idx.msk [tilespmem:v22+s24+$0x0], $0xffff  }
0x3f: {  	v59 =	vld.idx.msk [tilespmem:v24+s24+$0x0], $0xffff  }
0x40: {  	v60 =	vld.idx.msk [tilespmem:v33+s24+$0x0], $0xffff  }
0x41: {  	v61 =	vld.idx.msk [tilespmem:v29+s24+$0x0], $0xffff  }
0x42: {  	v62 =	vld.idx.msk [tilespmem:v18+s24+$0x0], $0xffff  }
0x43: {  	v63 =	vld.idx.msk [tilespmem:v28+s24+$0x0], $0xffff  }
0x44: {  	v45 =	vld.idx.msk [tilespmem:v34+s24+$0x0], $0xffff  }
0x45: {  	v41 =	vld.idx.msk [tilespmem:v23+s24+$0x0], $0xffff  }
0x46: {  	v42 =	vld.idx.msk [tilespmem:v12+s24+$0x0], $0xffff  }
0x47: {  	v44 =	vld.idx.msk [tilespmem:v26+s24+$0x0], $0xffff  }
0x48: {  	v0 =	vld.idx.msk [tilespmem:v21+s24+$0x0], $0xffff  }
0x49: {  	v40 =	vld.idx.msk [tilespmem:v16+s24+$0x0], $0xffff;
	[tilespmem:$0x1FFA0] =	vst v45  }
0x4a: {  	v52 =	vadd.f32 v55, v52;
	v55 =	vadd.f32 v57, v56;
	v45 =	vld.idx.msk [tilespmem:v32+s24+$0x0], $0xffff;
	_ =	sdelay $0x1  }
0x4b: {  	v55 =	vadd.f32 v60, v55;
	v52 =	vadd.f32 v59, v52;
	v60 =	vld [tilespmem:$0x1FF60]  }
0x4c: {  	v47 =	vadd.f32 v48, v47  }
0x4d: {  	v52 =	vadd.f32 v52, v62;
	v62 =	vld [tilespmem:$0x1FF80]  }
0x4e: {  	v47 =	vadd.f32 v50, v47;
	[tilespmem:$0x1FFC0] =	vst v45  }
0x4f: {  	v45 =	vld.idx.msk [tilespmem:v31+s24+$0x0], $0xffff  }
0x50: {  	v47 =	vadd.f32 v47, v60  }
0x51: {  	v48 =	vadd.f32 v51, v49  }
0x52: {  	v51 =	vadd.f32 v53, v50;
	v47 =	vadd.f32 v47, v62;
	v62 =	vld [tilespmem:$0x1FFA0]  }
0x53: {  	v55 =	vadd.f32 v55, v63  }
0x54: {  	v51 =	vadd.f32 v56, v51;
	[tilespmem:$0x1FFD0] =	vst v45  }
0x55: {  	v44 =	vadd.f32 v55, v44;
	v45 =	vld.idx.msk [tilespmem:v25+s24+$0x0], $0xffff  }
0x56: {  	v51 =	vadd.f32 v51, v46  }
0x57: {  	v44 =	vadd.f32 v44, v62;
	v62 =	vld [tilespmem:$0x1FFB0]  }
0x58: {  	v42 =	vadd.f32 v51, v42;
	_ =	sdelay $0x1  }
0x59: {  	v42 =	vadd.f32 v42, v0;
	[tilespmem:$0x1FFE0] =	vst v45  }
0x5a: {  	v45 =	vld.idx.msk [tilespmem:v3+s24+$0xFFFFFCF0], $0xffff  }
0x5b: {  	v42 =	vadd.f32 v42, v62;
	v62 =	vld [tilespmem:$0x1FFC0];
	_ =	sdelay $0x4  }
0x5c: {  	[tilespmem:$0x1FFF0] =	vst v45;
	v44 =	vadd.f32 v44, v62;
	v62 =	vld [tilespmem:$0x1FFD0]  }
0x5d: {  	v49 =	vld.idx.msk [tilespmem:v5+s24+$0xFFFFFCF0], $0xffff  }
0x5e: {  	v53 =	vld.idx.msk [tilespmem:v7+s24+$0xFFFFFCF0], $0xffff  }
0x5f: {  	v50 =	vld.idx.msk [tilespmem:v9+s24+$0xFFFFFCF0], $0xffff  }
0x60: {  	v56 =	vld.idx.msk [tilespmem:v11+s24+$0xFFFFFCF0], $0xffff  }
0x61: {  	v48 =	vadd.f32 v54, v48;
	v45 =	vadd.f32 v58, v54;
	v54 =	vld.idx.msk [tilespmem:v13+s24+$0xFFFFFCF0], $0xffff  }
0x62: {  	v58 =	vld.idx.msk [tilespmem:v15+s24+$0xFFFFFCF0], $0xffff  }
0x63: {  	v59 =	vld.idx.msk [tilespmem:v17+s24+$0xFFFFFCF0], $0xffff  }
0x64: {  	v60 =	vld.idx.msk [tilespmem:v20+s24+$0xFFFFFCF0], $0xffff  }
0x65: {  	v57 =	vadd.f32 v61, v45;
	v61 =	vld [tilespmem:$0x1FF70]  }
0x66: {  	v51 =	vld.idx.msk [tilespmem:v27+s24+$0xFFFFFCF0], $0xffff  }
0x67: {  	v55 =	vld.idx.msk [tilespmem:v1+s24+$0xFFFFFCF0], $0xffff;
	v57 =	vadd.f32 v57, v41  }
0x68: {  	v45 =	vld [tilespmem:$0x1FF90]  }
0x69: {  	v0 =	vadd.f32 v57, v0;
	v57 =	vld.idx.msk [tilespmem:v29+s24+$0xFFFFFCF0], $0xffff  }
0x6a: {  	v48 =	vadd.f32 v48, v61;
	v61 =	vld.idx.msk [tilespmem:v22+s24+$0xFFFFFCF0], $0xffff  }
0x6b: {  	v47 =	vadd.f32 v47, v43;
	v49 =	vadd.f32 v50, v49;
	v50 =	vld.idx.msk [tilespmem:v18+s24+$0xFFFFFCF0], $0xffff  }
0x6c: {  	v56 =	vadd.f32 v59, v56;
	v59 =	vld.idx.msk [tilespmem:v2+s24+$0xFFFFFCF0], $0xffff;
	v43 =	vadd.f32 v48, v43  }
0x6d: {  	v52 =	vadd.f32 v52, v40;
	v47 =	vadd.f32 v47, v45;
	v45 =	vld.idx.msk [tilespmem:v33+s24+$0xFFFFFCF0], $0xffff  }
0x6e: {  	v0 =	vadd.f32 v0, v62;
	v62 =	vld.idx.msk [tilespmem:v10+s24+$0xFFFFFCF0], $0xffff;
	v40 =	vadd.f32 v43, v40  }
0x6f: {  	v49 =	vadd.f32 v58, v49;
	v58 =	vadd.f32 v61, v58;
	v61 =	vld [tilespmem:$0x1FFF0]  }
0x70: {  	v46 =	vadd.f32 v40, v46;
	v40 =	vld [tilespmem:$0x1FFE0]  }
0x71: {  	v51 =	vadd.f32 v51, v60;
	v48 =	vld.idx.msk [tilespmem:v24+s24+$0xFFFFFCF0], $0xffff  }
0x72: {  	v54 =	vadd.f32 v54, v53;
	v47 =	vmul.f32 $1.428571490e-01, v47;
	v43 =	vld.idx.msk [tilespmem:v4+s24+$0xFFFFFCF0], $0xffff  }
0x73: {  	s21 =	simm.s32 $0xC490;
	v45 =	vadd.f32 v45, v51;
	v51 =	vld.idx.msk [tilespmem:v16+s24+$0xFFFFFCF0], $0xffff  }
0x74: {  	[tilespmem:v30+s21+$0x0] =	vst.idx.msk $0xffff, v47;
	v47 =	vadd.f32 v60, v54;
	v54 =	vld.idx.msk [tilespmem:v8+s24+$0xFFFFFCF0], $0xffff;
	v55 =	vadd.f32 v61, v55  }
0x75: {  	v40 =	vadd.f32 v52, v40;
	v52 =	vld.idx.msk [tilespmem:v14+s24+$0xFFFFFCF0], $0xffff  }
0x76: {  	v0 =	vadd.f32 v0, v63;
	v53 =	vadd.f32 v53, v55;
	v55 =	vld.idx.msk [tilespmem:v12+s24+$0xFFFFFCF0], $0xffff  }
0x77: {  	v42 =	vmul.f32 $1.428571490e-01, v42;
	v48 =	vadd.f32 v48, v56;
	v63 =	vadd.f32 v40, v41;
	v40 =	vld.idx.msk [tilespmem:v23+s24+$0xFFFFFCF0], $0xffff  }
0x78: {  	v44 =	vmul.f32 $1.428571490e-01, v44;
	v49 =	vadd.f32 v49, v62;
	v41 =	vld.idx.msk [tilespmem:v28+s24+$0xFFFFFCF0], $0xffff  }
0x79: {  	[tilespmem:v35+s21+$0x0] =	vst.idx.msk $0xffff, v42;
	v42 =	vld.idx.msk [tilespmem:v25+s24+$0xFFFFFCF0], $0xffff;
	v48 =	vadd.f32 v48, v50;
	v61 =	vadd.f32 v57, v58  }
0x7a: {  	v46 =	vmul.f32 $1.428571490e-01, v46;
	v49 =	vadd.f32 v49, v54;
	v43 =	vadd.f32 v53, v43;
	v53 =	vld.idx.msk [tilespmem:v21+s24+$0xFFFFFCF0], $0xffff  }
0x7b: {  	[tilespmem:v36+s21+$0x0] =	vst.idx.msk $0xffff, v44;
	v57 =	vld.idx.msk [tilespmem:v26+s24+$0xFFFFFCF0], $0xffff;
	v50 =	vadd.f32 v48, v51;
	v47 =	vadd.f32 v47, v52  }
0x7c: {  	[tilespmem:v37+s21+$0x0] =	vst.idx.msk $0xffff, v46;
	v46 =	vld.idx.msk [tilespmem:v6+s24+$0xFFFFFCF0], $0xffff;
	v62 =	vadd.f32 v43, v59;
	v56 =	vadd.f32 v61, v40  }
0x7d: {  	v0 =	vmul.f32 $1.428571490e-01, v0;
	v43 =	vld.idx.msk [tilespmem:v31+s24+$0xFFFFFCF0], $0xffff;
	v60 =	vadd.f32 v45, v41;
	v61 =	vadd.f32 v47, v55  }
0x7e: {  	v45 =	vld.idx.msk [tilespmem:v34+s24+$0xFFFFFCF0], $0xffff;
	v44 =	vadd.f32 v62, v54;
	v62 =	vmul.f32 $1.428571490e-01, v63;
	v63 =	vadd.f32 v49, v51  }
0x7f: {  	s20 =	sshll.u32 s19, $0xA;
	[tilespmem:v38+s21+$0x0] =	vst.idx.msk $0xffff, v0;
	v47 =	vld.idx.msk [tilespmem:v19+s24+$0xFFFFFCF0], $0xffff;
	v48 =	vadd.f32 v61, v53;
	v51 =	vadd.f32 v56, v53  }
0x80: {  	s23 =	simm.s32 $0x0;
	s22 =	sadd.s32 s5, s20;
	v49 =	vld.idx.msk [tilespmem:v32+s24+$0xFFFFFCF0], $0xffff;
	s24 =	simm.s32 $0x930;
	[tilespmem:v39+s21+$0x0] =	vst.idx.msk $0xffff, v62;
	v53 =	vadd.f32 v60, v57;
	v52 =	vadd.f32 v63, v52  }
.LBB2_5:
0x81: {  	v0 =	vld.idx.msk [tilespmem:v6+s24+$0x0], $0xffff;
	v42 =	vadd.f32 v50, v42  }
0x82: {  	v43 =	vadd.f32 v51, v43;
	v50 =	vld.idx.msk [tilespmem:v19+s24+$0x0], $0xffff;
	v52 =	vmul.f32 $1.428571490e-01, v52  }
0x83: {  	v45 =	vadd.f32 v53, v45;
	v51 =	vld.idx.msk [tilespmem:v2+s24+$0x0], $0xffff;
	v40 =	vadd.f32 v42, v40  }
0x84: {  	v44 =	vadd.f32 v44, v46;
	v41 =	vadd.f32 v43, v41;
	v42 =	vld.idx.msk [tilespmem:v8+s24+$0x0], $0xffff  }
0x85: {  	v46 =	vadd.f32 v48, v47;
	v43 =	vld.idx.msk [tilespmem:v4+s24+$0x0], $0xffff;
	v40 =	vmul.f32 $1.428571490e-01, v40  }
0x86: {  	v44 =	vmul.f32 $1.428571490e-01, v44;
	v45 =	vadd.f32 v45, v49;
	v41 =	vmul.f32 $1.428571490e-01, v41;
	v47 =	vld.idx.msk [tilespmem:v10+s24+$0x0], $0xffff  }
0x87: {  	v46 =	vmul.f32 $1.428571490e-01, v46;
	v48 =	vld.idx.msk [tilespmem:v14+s24+$0x0], $0xffff  }
0x88: {  	v49 =	vld.idx.msk [tilespmem:v1+s24+$0x0], $0xffff;
	[tilespmem:v30+s21+$0xFFFFFF70] =	vst.idx.msk $0xffff, v44;
	v44 =	vmul.f32 $1.428571490e-01, v45  }
0x89: {  	v45 =	vld.idx.msk [tilespmem:v3+s24+$0x0], $0xffff;
	[tilespmem:v35+s21+$0xFFFFFF70] =	vst.idx.msk $0xffff, v46  }
0x8a: {  	v46 =	vld.idx.msk [tilespmem:v5+s24+$0x0], $0xffff;
	[tilespmem:v36+s21+$0xFFFFFF70] =	vst.idx.msk $0xffff, v44  }
0x8b: {  	v44 =	vld.idx.msk [tilespmem:v7+s24+$0x0], $0xffff;
	[tilespmem:v37+s21+$0xFFFFFF70] =	vst.idx.msk $0xffff, v52  }
0x8c: {  	v52 =	vld.idx.msk [tilespmem:v9+s24+$0x0], $0xffff;
	[tilespmem:v38+s21+$0xFFFFFF70] =	vst.idx.msk $0xffff, v41  }
0x8d: {  	v41 =	vld.idx.msk [tilespmem:v11+s24+$0x0], $0xffff;
	[tilespmem:v39+s21+$0xFFFFFF70] =	vst.idx.msk $0xffff, v40  }
0x8e: {  	v40 =	vld.idx.msk [tilespmem:v13+s24+$0x0], $0xffff  }
0x8f: {  	v53 =	vld.idx.msk [tilespmem:v15+s24+$0x0], $0xffff  }
0x90: {  	v54 =	vld.idx.msk [tilespmem:v17+s24+$0x0], $0xffff  }
0x91: {  	v55 =	vld.idx.msk [tilespmem:v20+s24+$0x0], $0xffff  }
0x92: {  	v56 =	vld.idx.msk [tilespmem:v27+s24+$0x0], $0xffff  }
0x93: {  	v57 =	vld.idx.msk [tilespmem:v22+s24+$0x0], $0xffff  }
0x94: {  	v58 =	vld.idx.msk [tilespmem:v24+s24+$0x0], $0xffff  }
0x95: {  	v59 =	vld.idx.msk [tilespmem:v33+s24+$0x0], $0xffff  }
0x96: {  	v60 =	vld.idx.msk [tilespmem:v29+s24+$0x0], $0xffff  }
0x97: {  	v45 =	vadd.f32 v45, v49;
	v40 =	vadd.f32 v40, v44;
	v61 =	vld.idx.msk [tilespmem:v18+s24+$0x0], $0xffff  }
0x98: {  	v46 =	vadd.f32 v52, v46;
	v56 =	vadd.f32 v56, v55;
	v49 =	vld.idx.msk [tilespmem:v28+s24+$0x0], $0xffff  }
0x99: {  	s23 =	sadd.s32 $0x2, s23;
	v41 =	vadd.f32 v54, v41;
	v57 =	vadd.f32 v57, v53;
	v52 =	vld.idx.msk [tilespmem:v23+s24+$0x0], $0xffff  }
0x9a: {  	p0 =	slt.u32 s23, $0x1E;
	v44 =	vadd.f32 v44, v45;
	v40 =	vadd.f32 v55, v40;
	v54 =	vld.idx.msk [tilespmem:v12+s24+$0x0], $0xffff  }
0x9b: {  	v46 =	vadd.f32 v53, v46;
	v55 =	vadd.f32 v59, v56;
	v45 =	vld.idx.msk [tilespmem:v26+s24+$0x0], $0xffff  }
0x9c: {  	v41 =	vadd.f32 v58, v41;
	v56 =	vadd.f32 v60, v57;
	v53 =	vld.idx.msk [tilespmem:v21+s24+$0x0], $0xffff  }
0x9d: {  	v43 =	vadd.f32 v44, v43;
	v40 =	vadd.f32 v40, v48;
	v57 =	vld.idx.msk [tilespmem:v16+s24+$0x0], $0xffff  }
0x9e: {  	v46 =	vadd.f32 v46, v47;
	v55 =	vadd.f32 v55, v49;
	v44 =	vld.idx.msk [tilespmem:v34+s24+$0x0], $0xffff  }
0x9f: {  	v41 =	vadd.f32 v41, v61;
	v56 =	vadd.f32 v56, v52;
	v47 =	vld.idx.msk [tilespmem:v32+s24+$0x0], $0xffff  }
0xa0: {  	v43 =	vadd.f32 v43, v51;
	v40 =	vadd.f32 v40, v54;
	v58 =	vld.idx.msk [tilespmem:v31+s24+$0x0], $0xffff  }
0xa1: {  	v46 =	vadd.f32 v46, v42;
	v45 =	vadd.f32 v55, v45;
	v51 =	vld.idx.msk [tilespmem:v25+s24+$0x0], $0xffff  }
0xa2: {  	v42 =	vadd.f32 v43, v42;
	v43 =	vadd.f32 v56, v53;
	v54 =	vld.idx.msk [tilespmem:v3+s24+$0xFFFFFCF0], $0xffff  }
0xa3: {  	v40 =	vadd.f32 v40, v53;
	v41 =	vadd.f32 v41, v57;
	v55 =	vld.idx.msk [tilespmem:v5+s24+$0xFFFFFCF0], $0xffff  }
0xa4: {  	v0 =	vadd.f32 v42, v0;
	v42 =	vadd.f32 v45, v44;
	v53 =	vld.idx.msk [tilespmem:v7+s24+$0xFFFFFCF0], $0xffff  }
0xa5: {  	v40 =	vadd.f32 v40, v50;
	v45 =	vadd.f32 v46, v57;
	v44 =	vld.idx.msk [tilespmem:v9+s24+$0xFFFFFCF0], $0xffff  }
0xa6: {  	v0 =	vmul.f32 $1.428571490e-01, v0;
	v42 =	vadd.f32 v42, v47;
	v43 =	vadd.f32 v43, v58;
	v46 =	vld.idx.msk [tilespmem:v11+s24+$0xFFFFFCF0], $0xffff  }
0xa7: {  	s21 =	sadd.s32 $0x120, s21;
	v40 =	vmul.f32 $1.428571490e-01, v40;
	v45 =	vadd.f32 v45, v48;
	v41 =	vadd.f32 v41, v51;
	v47 =	vld.idx.msk [tilespmem:v13+s24+$0xFFFFFCF0], $0xffff  }
0xa8: {  	v48 =	vld.idx.msk [tilespmem:v15+s24+$0xFFFFFCF0], $0xffff;
	[tilespmem:v30+s21+$0x0] =	vst.idx.msk $0xffff, v0;
	v0 =	vmul.f32 $1.428571490e-01, v42;
	v42 =	vadd.f32 v43, v49  }
0xa9: {  	v41 =	vadd.f32 v41, v52;
	v43 =	vld.idx.msk [tilespmem:v17+s24+$0xFFFFFCF0], $0xffff;
	[tilespmem:v35+s21+$0x0] =	vst.idx.msk $0xffff, v40;
	v40 =	vmul.f32 $1.428571490e-01, v45  }
0xaa: {  	v45 =	vld.idx.msk [tilespmem:v20+s24+$0xFFFFFCF0], $0xffff;
	[tilespmem:v36+s21+$0x0] =	vst.idx.msk $0xffff, v0;
	v0 =	vmul.f32 $1.428571490e-01, v42  }
0xab: {  	v44 =	vadd.f32 v44, v55;
	v42 =	vld.idx.msk [tilespmem:v22+s24+$0xFFFFFCF0], $0xffff;
	[tilespmem:v37+s21+$0x0] =	vst.idx.msk $0xffff, v40;
	v40 =	vmul.f32 $1.428571490e-01, v41  }
0xac: {  	v41 =	vld.idx.msk [tilespmem:v27+s24+$0xFFFFFCF0], $0xffff;
	[tilespmem:v38+s21+$0x0] =	vst.idx.msk $0xffff, v0  }
0xad: {  	v47 =	vadd.f32 v47, v53;
	v0 =	vld.idx.msk [tilespmem:v1+s24+$0xFFFFFCF0], $0xffff;
	[tilespmem:v39+s21+$0x0] =	vst.idx.msk $0xffff, v40  }
0xae: {  	v44 =	vadd.f32 v48, v44;
	v40 =	vld.idx.msk [tilespmem:v24+s24+$0xFFFFFCF0], $0xffff  }
0xaf: {  	v43 =	vadd.f32 v43, v46;
	v49 =	vld.idx.msk [tilespmem:v29+s24+$0xFFFFFCF0], $0xffff  }
0xb0: {  	v47 =	vadd.f32 v45, v47;
	v46 =	vld.idx.msk [tilespmem:v33+s24+$0xFFFFFCF0], $0xffff  }
0xb1: {  	v42 =	vadd.f32 v42, v48;
	v50 =	vld.idx.msk [tilespmem:v4+s24+$0xFFFFFCF0], $0xffff  }
0xb2: {  	v45 =	vadd.f32 v41, v45;
	v48 =	vld.idx.msk [tilespmem:v10+s24+$0xFFFFFCF0], $0xffff  }
0xb3: {  	v0 =	vadd.f32 v54, v0;
	v52 =	vld.idx.msk [tilespmem:v14+s24+$0xFFFFFCF0], $0xffff  }
0xb4: {  	v43 =	vadd.f32 v40, v43;
	v51 =	vld.idx.msk [tilespmem:v18+s24+$0xFFFFFCF0], $0xffff  }
0xb5: {  	v0 =	vadd.f32 v53, v0;
	v42 =	vadd.f32 v49, v42;
	v40 =	vld.idx.msk [tilespmem:v23+s24+$0xFFFFFCF0], $0xffff  }
0xb6: {  	v45 =	vadd.f32 v46, v45;
	v41 =	vld.idx.msk [tilespmem:v28+s24+$0xFFFFFCF0], $0xffff  }
0xb7: {  	v0 =	vadd.f32 v0, v50;
	v46 =	vld.idx.msk [tilespmem:v2+s24+$0xFFFFFCF0], $0xffff  }
0xb8: {  	v44 =	vadd.f32 v44, v48;
	v49 =	vld.idx.msk [tilespmem:v8+s24+$0xFFFFFCF0], $0xffff  }
0xb9: {  	v47 =	vadd.f32 v47, v52;
	v48 =	vld.idx.msk [tilespmem:v12+s24+$0xFFFFFCF0], $0xffff  }
0xba: {  	v51 =	vadd.f32 v43, v51;
	v50 =	vld.idx.msk [tilespmem:v16+s24+$0xFFFFFCF0], $0xffff  }
0xbb: {  	v54 =	vadd.f32 v42, v40;
	v53 =	vld.idx.msk [tilespmem:v21+s24+$0xFFFFFCF0], $0xffff  }
0xbc: {  	v56 =	vadd.f32 v45, v41;
	v55 =	vld.idx.msk [tilespmem:v26+s24+$0xFFFFFCF0], $0xffff  }
0xbd: {  	v0 =	vadd.f32 v0, v46;
	v42 =	vld.idx.msk [tilespmem:v25+s24+$0xFFFFFCF0], $0xffff  }
.Ltmp3:
0xbe: {  	v57 =	vadd.f32 v44, v49;
	v43 =	vld.idx.msk [tilespmem:v31+s24+$0xFFFFFCF0], $0xffff;
	(pc) =	sbr.rel @p0 .LBB2_5-.Ltmp3, $4  }
0xbf: {  	v44 =	vadd.f32 v0, v49;
	v0 =	vadd.f32 v47, v48;
	v45 =	vld.idx.msk [tilespmem:v34+s24+$0xFFFFFCF0], $0xffff  }
0xc0: {  	v57 =	vadd.f32 v57, v50;
	v50 =	vadd.f32 v51, v50;
	v46 =	vld.idx.msk [tilespmem:v6+s24+$0xFFFFFCF0], $0xffff  }
0xc1: {  	v48 =	vadd.f32 v0, v53;
	v51 =	vadd.f32 v54, v53;
	v47 =	vld.idx.msk [tilespmem:v19+s24+$0xFFFFFCF0], $0xffff  }
0xc2: {  	v53 =	vadd.f32 v56, v55;
	v52 =	vadd.f32 v57, v52;
	v49 =	vld.idx.msk [tilespmem:v32+s24+$0xFFFFFCF0], $0xffff;
	s24 =	sadd.s32 $0x620, s24  }
0xc3: {  	_ =	sdelay $0x1  }
0xc4: {  	v0 =	vadd.f32 v53, v45;
	v44 =	vadd.f32 v44, v46  }
0xc5: {  	v57 =	vadd.f32 v48, v47  }
0xc6: {  	v43 =	vadd.f32 v51, v43;
	v44 =	vmul.f32 $1.428571490e-01, v44;
	v0 =	vadd.f32 v0, v49  }
0xc7: {  	v42 =	vadd.f32 v50, v42;
	v45 =	vmul.f32 $1.428571490e-01, v57  }
0xc8: {  	v41 =	vadd.f32 v43, v41;
	[tilespmem:v30+s21+$0xFFFFFF70] =	vst.idx.msk $0xffff, v44;
	v0 =	vmul.f32 $1.428571490e-01, v0  }
0xc9: {  	p0 =	seq.s32 s19, $0x17;
	v58 =	vmul.f32 $1.428571490e-01, v52;
	v40 =	vadd.f32 v42, v40;
	[tilespmem:v35+s21+$0xFFFFFF70] =	vst.idx.msk $0xffff, v45  }
0xca: {  	s24 =	sadd.s32 @!p0 s20, s8;
	v41 =	vmul.f32 $1.428571490e-01, v41;
	[tilespmem:v36+s21+$0xFFFFFF70] =	vst.idx.msk $0xffff, v0  }
0xcb: {  	s23 =	sshrl.u32 s22, $0x3;
	s28 =	sadd.s32 s1, s22;
	s22 =	smul.u32 @!p0 $0x31, s24;
	v0 =	vmul.f32 $1.428571490e-01, v40;
	[tilespmem:v37+s21+$0xFFFFFF70] =	vst.idx.msk $0xffff, v58  }
0xcc: {  	[tilespmem:v38+s21+$0xFFFFFF70] =	vst.idx.msk $0xffff, v41  }
0xcd: {  	s29 =	sadd.s32 s23, s28;
	[tilespmem:v39+s21+$0xFFFFFF70] =	vst.idx.msk $0xffff, v0;
	s21 =	sshrl.u32 @!p0 s22, $0x3  }
0xce: {  	[hbm4b:s29+s3] =	stream.linear.scatter [tilespmem:s13], [sflag:$0x3], $0x1200, $0x38;
	[tilespmem:$0xE800] =	vst v63  }
0xcf: {  	s22 =	simm.s32 @!p0 $0x0;
	s21 =	sadd.s32 @!p0 s4, s21  }
0xd0: {  	[tilespmem:s22], [sflag:$0x1] =	stream.linear.gather @!p0 [hbm4b:s21+s22], $0x6200, $0x38;
	[tilespmem:$0xE800] =	vst v63  }
0xd1: {  	_ =	swait.ge [sflag:s14], $0x6200  }
0xd2: {  	[sflag:s14] =	ssyncset.done $0x0  }
0xd3: {  	s21 =	simm.s32 @!p1 $0x4;
	[sflag:s14] =	ssyncadd.s32 $0xFFFF9E00  }
0xd4: {  	_ =	swait.ge @!p1 [sflag:s21], $0x1200  }
0xd5: {  	[sflag:s21] =	ssyncset.done @!p1 $0x0  }
0xd6: {  	s30 =	simm.s32 $0x6510;
	[sflag:s21] =	ssyncadd.s32 @!p1 $0xFFFFEE00  }
0xd7: {  	v0 =	vld.idx.msk [tilespmem:v6+s30+$0x0], $0xffff;
	_ =	sdelay $0x4  }
0xd8: {  	[tilespmem:$0x1FEE0] =	vst v0  }
0xd9: {  	v0 =	vld.idx.msk [tilespmem:v19+s30+$0x0], $0xffff;
	_ =	sdelay $0x4  }
0xda: {  	[tilespmem:$0x1FF00] =	vst v0  }
0xdb: {  	v0 =	vld.idx.msk [tilespmem:v2+s30+$0x0], $0xffff;
	_ =	sdelay $0x4  }
0xdc: {  	[tilespmem:$0x1FED0] =	vst v0  }
0xdd: {  	v0 =	vld.idx.msk [tilespmem:v4+s30+$0x0], $0xffff;
	_ =	sdelay $0x4  }
0xde: {  	v42 =	vld.idx.msk [tilespmem:v8+s30+$0x0], $0xffff;
	[tilespmem:$0x1FEB0] =	vst v0  }
0xdf: {  	v0 =	vld.idx.msk [tilespmem:v10+s30+$0x0], $0xffff;
	_ =	sdelay $0x4  }
0xe0: {  	[tilespmem:$0x1FEC0] =	vst v0  }
0xe1: {  	v45 =	vld.idx.msk [tilespmem:v14+s30+$0x0], $0xffff  }
0xe2: {  	v46 =	vld.idx.msk [tilespmem:v1+s30+$0x0], $0xffff  }
0xe3: {  	v47 =	vld.idx.msk [tilespmem:v3+s30+$0x0], $0xffff  }
0xe4: {  	v48 =	vld.idx.msk [tilespmem:v5+s30+$0x0], $0xffff  }
0xe5: {  	v49 =	vld.idx.msk [tilespmem:v7+s30+$0x0], $0xffff  }
0xe6: {  	v50 =	vld.idx.msk [tilespmem:v9+s30+$0x0], $0xffff  }
0xe7: {  	v51 =	vld.idx.msk [tilespmem:v11+s30+$0x0], $0xffff  }
0xe8: {  	v52 =	vld.idx.msk [tilespmem:v13+s30+$0x0], $0xffff  }
0xe9: {  	v53 =	vld.idx.msk [tilespmem:v15+s30+$0x0], $0xffff  }
0xea: {  	v54 =	vld.idx.msk [tilespmem:v17+s30+$0x0], $0xffff  }
0xeb: {  	v55 =	vld.idx.msk [tilespmem:v20+s30+$0x0], $0xffff  }
0xec: {  	v56 =	vld.idx.msk [tilespmem:v27+s30+$0x0], $0xffff  }
0xed: {  	v57 =	vld.idx.msk [tilespmem:v22+s30+$0x0], $0xffff  }
0xee: {  	v58 =	vld.idx.msk [tilespmem:v24+s30+$0x0], $0xffff  }
0xef: {  	v59 =	vld.idx.msk [tilespmem:v33+s30+$0x0], $0xffff  }
0xf0: {  	v60 =	vld.idx.msk [tilespmem:v29+s30+$0x0], $0xffff  }
0xf1: {  	v61 =	vld.idx.msk [tilespmem:v18+s30+$0x0], $0xffff  }
0xf2: {  	v62 =	vld.idx.msk [tilespmem:v28+s30+$0x0], $0xffff  }
0xf3: {  	v44 =	vld.idx.msk [tilespmem:v34+s30+$0x0], $0xffff  }
0xf4: {  	v63 =	vld.idx.msk [tilespmem:v23+s30+$0x0], $0xffff  }
0xf5: {  	v41 =	vld.idx.msk [tilespmem:v12+s30+$0x0], $0xffff  }
0xf6: {  	v43 =	vld.idx.msk [tilespmem:v26+s30+$0x0], $0xffff  }
0xf7: {  	v0 =	vld.idx.msk [tilespmem:v21+s30+$0x0], $0xffff  }
0xf8: {  	v40 =	vld.idx.msk [tilespmem:v16+s30+$0x0], $0xffff;
	[tilespmem:$0x1FEF0] =	vst v44  }
0xf9: {  	v44 =	vld.idx.msk [tilespmem:v32+s30+$0x0], $0xffff;
	_ =	sdelay $0x4  }
0xfa: {  	[tilespmem:$0x1FF10] =	vst v44  }
0xfb: {  	v44 =	vld.idx.msk [tilespmem:v31+s30+$0x0], $0xffff;
	_ =	sdelay $0x4  }
0xfc: {  	[tilespmem:$0x1FF20] =	vst v44  }
0xfd: {  	v44 =	vld.idx.msk [tilespmem:v25+s30+$0x0], $0xffff;
	_ =	sdelay $0x4  }
0xfe: {  	[tilespmem:$0x1FF30] =	vst v44  }
0xff: {  	v44 =	vld.idx.msk [tilespmem:v3+s30+$0xFFFFFCF0], $0xffff;
	_ =	sdelay $0x2  }
0x100: {  	v51 =	vadd.f32 v54, v51;
	v54 =	vadd.f32 v56, v55;
	_ =	sdelay $0x1  }
0x101: {  	v54 =	vadd.f32 v59, v54;
	v51 =	vadd.f32 v58, v51;
	v59 =	vld [tilespmem:$0x1FEB0];
	[tilespmem:$0x1FF50] =	vst v44  }
0x102: {  	v46 =	vadd.f32 v47, v46;
	v47 =	vadd.f32 v50, v48;
	v44 =	vld.idx.msk [tilespmem:v5+s30+$0xFFFFFCF0], $0xffff  }
0x103: {  	v50 =	vadd.f32 v52, v49;
	v51 =	vadd.f32 v51, v61;
	v61 =	vld [tilespmem:$0x1FED0]  }
0x104: {  	v46 =	vadd.f32 v49, v46  }
0x105: {  	v50 =	vadd.f32 v55, v50  }
0x106: {  	v52 =	vld [tilespmem:$0x1FEF0];
	v46 =	vadd.f32 v46, v59  }
0x107: {  	v50 =	vadd.f32 v50, v45;
	[tilespmem:$0x1FF40] =	vst v44;
	v44 =	vld [tilespmem:$0x1FEE0]  }
0x108: {  	v54 =	vadd.f32 v54, v62;
	v46 =	vadd.f32 v46, v61;
	v61 =	vld [tilespmem:$0x1FF00]  }
0x109: {  	v56 =	vadd.f32 v57, v53;
	v41 =	vadd.f32 v50, v41  }
0x10a: {  	v43 =	vadd.f32 v54, v43;
	v46 =	vadd.f32 v46, v42  }
0x10b: {  	v56 =	vadd.f32 v60, v56;
	v60 =	vld [tilespmem:$0x1FEC0];
	v41 =	vadd.f32 v41, v0  }
0x10c: {  	v43 =	vadd.f32 v43, v52;
	v52 =	vld [tilespmem:$0x1FF30];
	v46 =	vadd.f32 v46, v44  }
0x10d: {  	v44 =	vadd.f32 v41, v61;
	v41 =	vadd.f32 v51, v40;
	v51 =	vld [tilespmem:$0x1FF10]  }
0x10e: {  	v48 =	vld.idx.msk [tilespmem:v7+s30+$0xFFFFFCF0], $0xffff  }
0x10f: {  	v49 =	vld.idx.msk [tilespmem:v9+s30+$0xFFFFFCF0], $0xffff  }
0x110: {  	v55 =	vld.idx.msk [tilespmem:v11+s30+$0xFFFFFCF0], $0xffff  }
0x111: {  	v47 =	vadd.f32 v53, v47;
	v53 =	vld.idx.msk [tilespmem:v13+s30+$0xFFFFFCF0], $0xffff  }
0x112: {  	v43 =	vadd.f32 v43, v51;
	v51 =	vld [tilespmem:$0x1FF20]  }
0x113: {  	v56 =	vadd.f32 v56, v63;
	v57 =	vld.idx.msk [tilespmem:v15+s30+$0xFFFFFCF0], $0xffff  }
0x114: {  	v58 =	vld.idx.msk [tilespmem:v17+s30+$0xFFFFFCF0], $0xffff  }
0x115: {  	v0 =	vadd.f32 v56, v0;
	v59 =	vld.idx.msk [tilespmem:v20+s30+$0xFFFFFCF0], $0xffff  }
0x116: {  	v47 =	vadd.f32 v47, v60;
	v60 =	vld.idx.msk [tilespmem:v22+s30+$0xFFFFFCF0], $0xffff  }
0x117: {  	v50 =	vld.idx.msk [tilespmem:v27+s30+$0xFFFFFCF0], $0xffff;
	v0 =	vadd.f32 v0, v51  }
0x118: {  	v54 =	vld.idx.msk [tilespmem:v1+s30+$0xFFFFFCF0], $0xffff  }
0x119: {  	v42 =	vadd.f32 v47, v42;
	v0 =	vadd.f32 v0, v62;
	v62 =	vld [tilespmem:$0x1FF40]  }
0x11a: {  	v47 =	vld.idx.msk [tilespmem:v24+s30+$0xFFFFFCF0], $0xffff  }
0x11b: {  	v56 =	vld.idx.msk [tilespmem:v29+s30+$0xFFFFFCF0], $0xffff;
	v40 =	vadd.f32 v42, v40  }
0x11c: {  	v61 =	vld.idx.msk [tilespmem:v33+s30+$0xFFFFFCF0], $0xffff  }
0x11d: {  	v42 =	vld.idx.msk [tilespmem:v4+s30+$0xFFFFFCF0], $0xffff;
	v45 =	vadd.f32 v40, v45;
	v40 =	vadd.f32 v41, v52  }
0x11e: {  	v55 =	vadd.f32 v58, v55;
	v58 =	vld.idx.msk [tilespmem:v2+s30+$0xFFFFFCF0], $0xffff;
	v41 =	vadd.f32 v49, v62  }
0x11f: {  	v52 =	vld.idx.msk [tilespmem:v14+s30+$0xFFFFFCF0], $0xffff;
	v62 =	vadd.f32 v40, v63  }
0x120: {  	v63 =	vadd.f32 v57, v41;
	v57 =	vadd.f32 v60, v57;
	v60 =	vld [tilespmem:$0x1FF50]  }
0x121: {  	v51 =	vld.idx.msk [tilespmem:v10+s30+$0xFFFFFCF0], $0xffff  }
0x122: {  	v49 =	vld.idx.msk [tilespmem:v18+s30+$0xFFFFFCF0], $0xffff  }
0x123: {  	v53 =	vadd.f32 v53, v48;
	v46 =	vmul.f32 $1.428571490e-01, v46;
	v40 =	vld.idx.msk [tilespmem:v23+s30+$0xFFFFFCF0], $0xffff  }
0x124: {  	s21 =	simm.s32 $0xD690;
	v50 =	vadd.f32 v50, v59;
	v41 =	vld.idx.msk [tilespmem:v28+s30+$0xFFFFFCF0], $0xffff  }
0x125: {  	[tilespmem:v30+s21+$0x0] =	vst.idx.msk $0xffff, v46;
	v46 =	vadd.f32 v59, v53;
	v53 =	vld.idx.msk [tilespmem:v8+s30+$0xFFFFFCF0], $0xffff;
	v54 =	vadd.f32 v60, v54  }
0x126: {  	v44 =	vmul.f32 $1.428571490e-01, v44;
	v47 =	vadd.f32 v47, v55;
	v63 =	vadd.f32 v63, v51;
	v51 =	vld.idx.msk [tilespmem:v21+s30+$0xFFFFFCF0], $0xffff  }
0x127: {  	v45 =	vmul.f32 $1.428571490e-01, v45;
	v60 =	vadd.f32 v56, v57;
	v56 =	vld.idx.msk [tilespmem:v16+s30+$0xFFFFFCF0], $0xffff;
	v48 =	vadd.f32 v48, v54  }
0x128: {  	v50 =	vadd.f32 v61, v50;
	v43 =	vmul.f32 $1.428571490e-01, v43;
	v46 =	vadd.f32 v46, v52;
	v54 =	vld.idx.msk [tilespmem:v12+s30+$0xFFFFFCF0], $0xffff  }
0x129: {  	[tilespmem:v35+s21+$0x0] =	vst.idx.msk $0xffff, v44;
	v47 =	vadd.f32 v47, v49;
	v57 =	vld.idx.msk [tilespmem:v26+s30+$0xFFFFFCF0], $0xffff;
	v61 =	vadd.f32 v48, v42  }
0x12a: {  	[tilespmem:v36+s21+$0x0] =	vst.idx.msk $0xffff, v43;
	v43 =	vld.idx.msk [tilespmem:v31+s30+$0xFFFFFCF0], $0xffff;
	v49 =	vadd.f32 v60, v40;
	v48 =	vadd.f32 v63, v53  }
0x12b: {  	v0 =	vmul.f32 $1.428571490e-01, v0;
	v60 =	vadd.f32 v50, v41;
	v42 =	vld.idx.msk [tilespmem:v25+s30+$0xFFFFFCF0], $0xffff;
	v44 =	vadd.f32 v61, v58  }
0x12c: {  	[tilespmem:v37+s21+$0x0] =	vst.idx.msk $0xffff, v45;
	v45 =	vld.idx.msk [tilespmem:v34+s30+$0xFFFFFCF0], $0xffff;
	v50 =	vadd.f32 v47, v56;
	v63 =	vadd.f32 v48, v56  }
0x12d: {  	v62 =	vmul.f32 $1.428571490e-01, v62;
	v47 =	vld.idx.msk [tilespmem:v19+s30+$0xFFFFFCF0], $0xffff;
	v61 =	vadd.f32 v46, v54;
	v44 =	vadd.f32 v44, v53  }
0x12e: {  	s31 =	sadd.s32 s20, s5;
	[tilespmem:v38+s21+$0x0] =	vst.idx.msk $0xffff, v0;
	v46 =	vld.idx.msk [tilespmem:v6+s30+$0xFFFFFCF0], $0xffff;
	v53 =	vadd.f32 v60, v57;
	v52 =	vadd.f32 v63, v52  }
0x12f: {  	s23 =	simm.s32 $0x0;
	s24 =	simm.s32 $0x6B30;
	s22 =	sadd.s32 $0x200, s31;
	[tilespmem:v39+s21+$0x0] =	vst.idx.msk $0xffff, v62;
	v48 =	vadd.f32 v61, v51;
	v51 =	vadd.f32 v49, v51;
	v49 =	vld.idx.msk [tilespmem:v32+s30+$0xFFFFFCF0], $0xffff  }
.LBB2_7:
0x130: {  	v0 =	vld.idx.msk [tilespmem:v6+s24+$0x0], $0xffff;
	v42 =	vadd.f32 v50, v42  }
0x131: {  	v43 =	vadd.f32 v51, v43;
	v50 =	vld.idx.msk [tilespmem:v19+s24+$0x0], $0xffff;
	v52 =	vmul.f32 $1.428571490e-01, v52  }
0x132: {  	v45 =	vadd.f32 v53, v45;
	v51 =	vld.idx.msk [tilespmem:v2+s24+$0x0], $0xffff;
	v40 =	vadd.f32 v42, v40  }
0x133: {  	v44 =	vadd.f32 v44, v46;
	v41 =	vadd.f32 v43, v41;
	v42 =	vld.idx.msk [tilespmem:v8+s24+$0x0], $0xffff  }
0x134: {  	v46 =	vadd.f32 v48, v47;
	v43 =	vld.idx.msk [tilespmem:v4+s24+$0x0], $0xffff;
	v40 =	vmul.f32 $1.428571490e-01, v40  }
0x135: {  	v44 =	vmul.f32 $1.428571490e-01, v44;
	v45 =	vadd.f32 v45, v49;
	v41 =	vmul.f32 $1.428571490e-01, v41;
	v47 =	vld.idx.msk [tilespmem:v10+s24+$0x0], $0xffff  }
0x136: {  	v46 =	vmul.f32 $1.428571490e-01, v46;
	v48 =	vld.idx.msk [tilespmem:v14+s24+$0x0], $0xffff  }
0x137: {  	v49 =	vld.idx.msk [tilespmem:v1+s24+$0x0], $0xffff;
	[tilespmem:v30+s21+$0xFFFFFF70] =	vst.idx.msk $0xffff, v44;
	v44 =	vmul.f32 $1.428571490e-01, v45  }
0x138: {  	v45 =	vld.idx.msk [tilespmem:v3+s24+$0x0], $0xffff;
	[tilespmem:v35+s21+$0xFFFFFF70] =	vst.idx.msk $0xffff, v46  }
0x139: {  	v46 =	vld.idx.msk [tilespmem:v5+s24+$0x0], $0xffff;
	[tilespmem:v36+s21+$0xFFFFFF70] =	vst.idx.msk $0xffff, v44  }
0x13a: {  	v44 =	vld.idx.msk [tilespmem:v7+s24+$0x0], $0xffff;
	[tilespmem:v37+s21+$0xFFFFFF70] =	vst.idx.msk $0xffff, v52  }
0x13b: {  	v52 =	vld.idx.msk [tilespmem:v9+s24+$0x0], $0xffff;
	[tilespmem:v38+s21+$0xFFFFFF70] =	vst.idx.msk $0xffff, v41  }
0x13c: {  	v41 =	vld.idx.msk [tilespmem:v11+s24+$0x0], $0xffff;
	[tilespmem:v39+s21+$0xFFFFFF70] =	vst.idx.msk $0xffff, v40  }
0x13d: {  	v40 =	vld.idx.msk [tilespmem:v13+s24+$0x0], $0xffff  }
0x13e: {  	v53 =	vld.idx.msk [tilespmem:v15+s24+$0x0], $0xffff  }
0x13f: {  	v54 =	vld.idx.msk [tilespmem:v17+s24+$0x0], $0xffff  }
0x140: {  	v55 =	vld.idx.msk [tilespmem:v20+s24+$0x0], $0xffff  }
0x141: {  	v56 =	vld.idx.msk [tilespmem:v27+s24+$0x0], $0xffff  }
0x142: {  	v57 =	vld.idx.msk [tilespmem:v22+s24+$0x0], $0xffff  }
0x143: {  	v58 =	vld.idx.msk [tilespmem:v24+s24+$0x0], $0xffff  }
0x144: {  	v59 =	vld.idx.msk [tilespmem:v33+s24+$0x0], $0xffff  }
0x145: {  	v60 =	vld.idx.msk [tilespmem:v29+s24+$0x0], $0xffff  }
0x146: {  	v45 =	vadd.f32 v45, v49;
	v40 =	vadd.f32 v40, v44;
	v61 =	vld.idx.msk [tilespmem:v18+s24+$0x0], $0xffff  }
0x147: {  	v46 =	vadd.f32 v52, v46;
	v56 =	vadd.f32 v56, v55;
	v49 =	vld.idx.msk [tilespmem:v28+s24+$0x0], $0xffff  }
0x148: {  	s23 =	sadd.s32 $0x2, s23;
	v41 =	vadd.f32 v54, v41;
	v57 =	vadd.f32 v57, v53;
	v52 =	vld.idx.msk [tilespmem:v23+s24+$0x0], $0xffff  }
0x149: {  	p1 =	slt.u32 s23, $0x1E;
	v44 =	vadd.f32 v44, v45;
	v40 =	vadd.f32 v55, v40;
	v54 =	vld.idx.msk [tilespmem:v12+s24+$0x0], $0xffff  }
0x14a: {  	v46 =	vadd.f32 v53, v46;
	v55 =	vadd.f32 v59, v56;
	v45 =	vld.idx.msk [tilespmem:v26+s24+$0x0], $0xffff  }
0x14b: {  	v41 =	vadd.f32 v58, v41;
	v56 =	vadd.f32 v60, v57;
	v53 =	vld.idx.msk [tilespmem:v21+s24+$0x0], $0xffff  }
0x14c: {  	v43 =	vadd.f32 v44, v43;
	v40 =	vadd.f32 v40, v48;
	v57 =	vld.idx.msk [tilespmem:v16+s24+$0x0], $0xffff  }
0x14d: {  	v46 =	vadd.f32 v46, v47;
	v55 =	vadd.f32 v55, v49;
	v44 =	vld.idx.msk [tilespmem:v34+s24+$0x0], $0xffff  }
0x14e: {  	v41 =	vadd.f32 v41, v61;
	v56 =	vadd.f32 v56, v52;
	v47 =	vld.idx.msk [tilespmem:v32+s24+$0x0], $0xffff  }
0x14f: {  	v43 =	vadd.f32 v43, v51;
	v40 =	vadd.f32 v40, v54;
	v58 =	vld.idx.msk [tilespmem:v31+s24+$0x0], $0xffff  }
0x150: {  	v46 =	vadd.f32 v46, v42;
	v45 =	vadd.f32 v55, v45;
	v51 =	vld.idx.msk [tilespmem:v25+s24+$0x0], $0xffff  }
0x151: {  	v42 =	vadd.f32 v43, v42;
	v43 =	vadd.f32 v56, v53;
	v54 =	vld.idx.msk [tilespmem:v3+s24+$0xFFFFFCF0], $0xffff  }
0x152: {  	v40 =	vadd.f32 v40, v53;
	v41 =	vadd.f32 v41, v57;
	v55 =	vld.idx.msk [tilespmem:v5+s24+$0xFFFFFCF0], $0xffff  }
0x153: {  	v0 =	vadd.f32 v42, v0;
	v42 =	vadd.f32 v45, v44;
	v53 =	vld.idx.msk [tilespmem:v7+s24+$0xFFFFFCF0], $0xffff  }
0x154: {  	v40 =	vadd.f32 v40, v50;
	v45 =	vadd.f32 v46, v57;
	v44 =	vld.idx.msk [tilespmem:v9+s24+$0xFFFFFCF0], $0xffff  }
0x155: {  	v0 =	vmul.f32 $1.428571490e-01, v0;
	v42 =	vadd.f32 v42, v47;
	v43 =	vadd.f32 v43, v58;
	v46 =	vld.idx.msk [tilespmem:v11+s24+$0xFFFFFCF0], $0xffff  }
0x156: {  	s21 =	sadd.s32 $0x120, s21;
	v40 =	vmul.f32 $1.428571490e-01, v40;
	v45 =	vadd.f32 v45, v48;
	v41 =	vadd.f32 v41, v51;
	v47 =	vld.idx.msk [tilespmem:v13+s24+$0xFFFFFCF0], $0xffff  }
0x157: {  	v48 =	vld.idx.msk [tilespmem:v15+s24+$0xFFFFFCF0], $0xffff;
	[tilespmem:v30+s21+$0x0] =	vst.idx.msk $0xffff, v0;
	v0 =	vmul.f32 $1.428571490e-01, v42;
	v42 =	vadd.f32 v43, v49  }
0x158: {  	v41 =	vadd.f32 v41, v52;
	v43 =	vld.idx.msk [tilespmem:v17+s24+$0xFFFFFCF0], $0xffff;
	[tilespmem:v35+s21+$0x0] =	vst.idx.msk $0xffff, v40;
	v40 =	vmul.f32 $1.428571490e-01, v45  }
0x159: {  	v45 =	vld.idx.msk [tilespmem:v20+s24+$0xFFFFFCF0], $0xffff;
	[tilespmem:v36+s21+$0x0] =	vst.idx.msk $0xffff, v0;
	v0 =	vmul.f32 $1.428571490e-01, v42  }
0x15a: {  	v44 =	vadd.f32 v44, v55;
	v42 =	vld.idx.msk [tilespmem:v22+s24+$0xFFFFFCF0], $0xffff;
	[tilespmem:v37+s21+$0x0] =	vst.idx.msk $0xffff, v40;
	v40 =	vmul.f32 $1.428571490e-01, v41  }
0x15b: {  	v41 =	vld.idx.msk [tilespmem:v27+s24+$0xFFFFFCF0], $0xffff;
	[tilespmem:v38+s21+$0x0] =	vst.idx.msk $0xffff, v0  }
0x15c: {  	v47 =	vadd.f32 v47, v53;
	v0 =	vld.idx.msk [tilespmem:v1+s24+$0xFFFFFCF0], $0xffff;
	[tilespmem:v39+s21+$0x0] =	vst.idx.msk $0xffff, v40  }
0x15d: {  	v44 =	vadd.f32 v48, v44;
	v40 =	vld.idx.msk [tilespmem:v24+s24+$0xFFFFFCF0], $0xffff  }
0x15e: {  	v43 =	vadd.f32 v43, v46;
	v49 =	vld.idx.msk [tilespmem:v29+s24+$0xFFFFFCF0], $0xffff  }
0x15f: {  	v47 =	vadd.f32 v45, v47;
	v46 =	vld.idx.msk [tilespmem:v33+s24+$0xFFFFFCF0], $0xffff  }
0x160: {  	v42 =	vadd.f32 v42, v48;
	v50 =	vld.idx.msk [tilespmem:v4+s24+$0xFFFFFCF0], $0xffff  }
0x161: {  	v45 =	vadd.f32 v41, v45;
	v48 =	vld.idx.msk [tilespmem:v10+s24+$0xFFFFFCF0], $0xffff  }
0x162: {  	v0 =	vadd.f32 v54, v0;
	v52 =	vld.idx.msk [tilespmem:v14+s24+$0xFFFFFCF0], $0xffff  }
0x163: {  	v43 =	vadd.f32 v40, v43;
	v51 =	vld.idx.msk [tilespmem:v18+s24+$0xFFFFFCF0], $0xffff  }
0x164: {  	v0 =	vadd.f32 v53, v0;
	v42 =	vadd.f32 v49, v42;
	v40 =	vld.idx.msk [tilespmem:v23+s24+$0xFFFFFCF0], $0xffff  }
0x165: {  	v45 =	vadd.f32 v46, v45;
	v41 =	vld.idx.msk [tilespmem:v28+s24+$0xFFFFFCF0], $0xffff  }
0x166: {  	v0 =	vadd.f32 v0, v50;
	v46 =	vld.idx.msk [tilespmem:v2+s24+$0xFFFFFCF0], $0xffff  }
0x167: {  	v44 =	vadd.f32 v44, v48;
	v49 =	vld.idx.msk [tilespmem:v8+s24+$0xFFFFFCF0], $0xffff  }
0x168: {  	v47 =	vadd.f32 v47, v52;
	v48 =	vld.idx.msk [tilespmem:v12+s24+$0xFFFFFCF0], $0xffff  }
0x169: {  	v51 =	vadd.f32 v43, v51;
	v50 =	vld.idx.msk [tilespmem:v16+s24+$0xFFFFFCF0], $0xffff  }
0x16a: {  	v54 =	vadd.f32 v42, v40;
	v53 =	vld.idx.msk [tilespmem:v21+s24+$0xFFFFFCF0], $0xffff  }
0x16b: {  	v56 =	vadd.f32 v45, v41;
	v55 =	vld.idx.msk [tilespmem:v26+s24+$0xFFFFFCF0], $0xffff  }
0x16c: {  	v0 =	vadd.f32 v0, v46;
	v42 =	vld.idx.msk [tilespmem:v25+s24+$0xFFFFFCF0], $0xffff  }
.Ltmp4:
0x16d: {  	v57 =	vadd.f32 v44, v49;
	v43 =	vld.idx.msk [tilespmem:v31+s24+$0xFFFFFCF0], $0xffff;
	(pc) =	sbr.rel @p1 .LBB2_7-.Ltmp4, $4  }
0x16e: {  	v44 =	vadd.f32 v0, v49;
	v0 =	vadd.f32 v47, v48;
	v45 =	vld.idx.msk [tilespmem:v34+s24+$0xFFFFFCF0], $0xffff  }
0x16f: {  	v57 =	vadd.f32 v57, v50;
	v50 =	vadd.f32 v51, v50;
	v46 =	vld.idx.msk [tilespmem:v6+s24+$0xFFFFFCF0], $0xffff  }
0x170: {  	v48 =	vadd.f32 v0, v53;
	v51 =	vadd.f32 v54, v53;
	v47 =	vld.idx.msk [tilespmem:v19+s24+$0xFFFFFCF0], $0xffff  }
0x171: {  	v53 =	vadd.f32 v56, v55;
	v52 =	vadd.f32 v57, v52;
	v49 =	vld.idx.msk [tilespmem:v32+s24+$0xFFFFFCF0], $0xffff;
	s24 =	sadd.s32 $0x620, s24  }
0x172: {  	_ =	sdelay $0x1  }
0x173: {  	v0 =	vadd.f32 v53, v45;
	v44 =	vadd.f32 v44, v46  }
0x174: {  	v62 =	vadd.f32 v48, v47  }
0x175: {  	v43 =	vadd.f32 v51, v43;
	v44 =	vmul.f32 $1.428571490e-01, v44;
	v0 =	vadd.f32 v0, v49  }
0x176: {  	v42 =	vadd.f32 v50, v42;
	v45 =	vmul.f32 $1.428571490e-01, v62  }
0x177: {  	v41 =	vadd.f32 v43, v41;
	[tilespmem:v30+s21+$0xFFFFFF70] =	vst.idx.msk $0xffff, v44;
	v0 =	vmul.f32 $1.428571490e-01, v0  }
0x178: {  	v63 =	vmul.f32 $1.428571490e-01, v52;
	v40 =	vadd.f32 v42, v40;
	[tilespmem:v35+s21+$0xFFFFFF70] =	vst.idx.msk $0xffff, v45  }
.Ltmp5:
0x179: {  	v41 =	vmul.f32 $1.428571490e-01, v41;
	[tilespmem:v36+s21+$0xFFFFFF70] =	vst.idx.msk $0xffff, v0;
	(pc) =	sbr.rel @p0 .LBB2_10-.Ltmp5, $4  }
0x17a: {  	v0 =	vmul.f32 $1.428571490e-01, v40;
	[tilespmem:v37+s21+$0xFFFFFF70] =	vst.idx.msk $0xffff, v63  }
0x17b: {  	s23 =	sshrl.u32 s22, $0x3;
	s30 =	sadd.s32 s1, s22;
	[tilespmem:v38+s21+$0xFFFFFF70] =	vst.idx.msk $0xffff, v41  }
0x17c: {  	s31 =	sadd.s32 s23, s30;
	[tilespmem:v39+s21+$0xFFFFFF70] =	vst.idx.msk $0xffff, v0  }
0x17d: {  	[hbm4b:s31+s3] =	stream.linear.scatter [tilespmem:s15], [sflag:$0x4], $0x1200, $0x38;
	[tilespmem:$0xE800] =	vst v63  }
0x17e: {  	s20 =	sadd.s32 s20, s9  }
0x17f: {  	s20 =	smul.u32 $0x31, s20  }
.Ltmp6:
0x180: {  	_ = 	snop;
	(pc) =	sbr.rel .LBB2_4-.Ltmp6, $4  }
0x181: {  	_ = 	snop  }
0x182: {  	s20 =	sshrl.u32 s20, $0x3  }
0x183: {  	s19 =	sadd.s32 $0x1, s19;
	s20 =	sadd.s32 s4, s20  }
0x184: {  	[tilespmem:s11], [sflag:$0x2] =	stream.linear.gather [hbm4b:s20+s3], $0x6200, $0x38;
	[tilespmem:$0xE800] =	vst v63  }
.LBB2_11:
0x185: {  	_ =	sfence.sel $0x180000  }
0x186: {  	[bflag:$0x0] =	sbarrier.arrive $0xFFFF  }
0x187: {  	p0 =	sne.s32 s2, $0x0;
	_ =	strace $0x90000047  }
0x188: {  	s0 =	sadd.s32 @!p0 $0x100000, s0;
	[bflag:$0x2] =	sbarrier.arrive $0xFFFF  }
0x189: {  	[sflag:s0] =	ssyncadd.tile.s32 @!p0 $0x1;
	_ =	shalt  }
.Lfunc_end2:
_tile_overlayer_lowered:
.L_overlay_start_2:
0x18a: {  	(tag) =	ssettag $0x2  }
0x18b: {  	s0 =	rddreg [dreg:$0x0];
	s2 =	stileid.u32  }
0x18c: {  	s1 =	rddreg [dreg:$0x1];
	p0 =	sne.s32 s2, $0x0  }
0x18d: {  	s3 =	rddreg [dreg:$0x2];
	[bflag:$0x3] =	sbarrier.arrive $0xFFFF;
	s2 =	simm.s32 @!p0 $0x1C05  }
0x18e: {  	[timem:s3], [sflag:s2] =	dma.local @!p0 [hbm:s0], s1  }
0x18f: {  	s0 =	simm.s32 @!p0 $0x5  }
0x190: {  	_ =	swait.ge @!p0 [sflag:s0], s1  }
0x191: {  	s1 =	ssub.s32 @!p0 $0x0, s1;
	[sflag:s0] =	ssyncset.done @!p0 $0x0  }
0x192: {  	[sflag:s0] =	ssyncadd.s32 @!p0 s1  }
0x193: {  	[bflag:$0x3] =	sbarrier.arrive $0xFFFF  }
0x194: {  	_ =	shalt  }

</sc_bundles>
